<compile_context>
chip_gen: v7x
topology: tpu7x:2x2x1
jax: 0.10.2.dev20260603
libtpu: 0.0.44.dev20260713+nightly
codegen_flags: <defaults>
</compile_context>

<pallas_src>
import functools

import jax
import jax.numpy as jnp
from jax import lax
from jax.experimental import pallas as pl
from jax.experimental.pallas import tpu as pltpu
from jax.experimental.pallas import tpu_sc as plsc

N = 10000
E = 320000
D = 128
HD = D // 2

NC = 2
NS = 16
NW = NC * NS
CH = 128
K = 160
NB = 4
NBLK = K // NB
EPT = K * CH
E_PAD = NS * EPT
NP = 10240
STRIPE = NP // NS
_BLK = 1024


_MESH = plsc.VectorSubcoreMesh(core_axis_name="c", subcore_axis_name="s")


@functools.partial(
    pl.kernel,
    out_type=(
        jax.ShapeDtypeStruct((NP, NC, HD), jnp.float32),
        jax.ShapeDtypeStruct((NW, NP), jnp.float32),
    ),
    mesh=_MESH,
    compiler_params=pltpu.CompilerParams(use_tc_tiling_on_sc=False,
                                         needs_layout_passes=False),
    scratch_types=(
        pltpu.VMEM((2, NB, CH), jnp.int32),
        pltpu.VMEM((2, NB, CH), jnp.int32),
        pltpu.VMEM((CH, HD), jnp.float32),
        pltpu.VMEM((CH, HD), jnp.float32),
        pltpu.VMEM((CH, HD), jnp.float32),
        pltpu.VMEM((CH, HD), jnp.float32),
        pltpu.VMEM((NP,), jnp.float32),
        pltpu.VMEM_SHARED((NP, HD), jnp.float32),
        pltpu.VMEM_SHARED((NP, HD), jnp.float32),
        pltpu.SemaphoreType.DMA,
        pltpu.SemaphoreType.DMA,
        pltpu.SemaphoreType.DMA,
        pltpu.SemaphoreType.DMA,
        pltpu.SemaphoreType.DMA,
        pltpu.SemaphoreType.DMA,
        pltpu.SemaphoreType.DMA,
        pltpu.SemaphoreType.DMA,
        pltpu.SemaphoreType.DMA,
    ),
)
def _sc_aggregate(h_hbm, src_hbm, dst_hbm,
                  agg_out, deg_out,
                  src_w, dst_w, buf_0, buf_1, buf_2, buf_3, deg_v,
                  table_sh, agg_sh,
                  sg_0, sg_1, sg_2, sg_3, ss_0, ss_1, ss_2, ss_3, sem_i):
    bufs = (buf_0, buf_1, buf_2, buf_3)
    sgs = (sg_0, sg_1, sg_2, sg_3)
    sss = (ss_0, ss_1, ss_2, ss_3)
    c = lax.axis_index("c")
    s = lax.axis_index("s")

    zeros16 = jnp.zeros((16,), jnp.float32)
    ones16 = jnp.full((16,), 1.0, jnp.float32)

    def zrow_body(r, carry):
        for i in range(HD // 16):
            buf_0[r, pl.ds(i * 16, 16)] = zeros16
        return carry

    lax.fori_loop(0, CH, zrow_body, 0)

    def zdeg_body(i, carry):
        deg_v[pl.ds(i * 16, 16)] = zeros16
        return carry

    lax.fori_loop(0, NP // 16, zdeg_body, 0)

    base = s * STRIPE
    for off in (0, 128, 256, 384, 512):
        pltpu.sync_copy(buf_0, agg_sh.at[pl.ds(base + off, 128)])
    for off in (0, 128, 256):
        pltpu.sync_copy(h_hbm.at[pl.ds(base + off, 128), pl.ds(c * HD, HD)],
                        table_sh.at[pl.ds(base + off, 128)])

    @pl.when(s < NS - 1)
    def _():
        for off in (384, 512):
            pltpu.sync_copy(h_hbm.at[pl.ds(base + off, 128), pl.ds(c * HD, HD)],
                            table_sh.at[pl.ds(base + off, 128)])

    @pl.when(s == NS - 1)
    def _():
        pltpu.sync_copy(h_hbm.at[pl.ds(base + 384, 16), pl.ds(c * HD, HD)],
                        table_sh.at[pl.ds(base + 384, 16)])

    pltpu.sync_copy(src_hbm.at[s, pl.ds(0, NB)], src_w.at[0])
    pltpu.sync_copy(dst_hbm.at[s, pl.ds(0, NB)], dst_w.at[0])
    pltpu.async_copy(src_hbm.at[s, pl.ds(NB, NB)], src_w.at[1], sem_i)
    pltpu.async_copy(dst_hbm.at[s, pl.ds(NB, NB)], dst_w.at[1], sem_i)

    plsc.subcore_barrier()

    for k in range(NB):
        pltpu.async_copy(table_sh.at[src_w.at[0, k]], bufs[k], sgs[k])

    def chunk_body(g, carry):
        p = g % 2
        pn = (g + 1) % 2

        for k in range(NB):
            pltpu.make_async_copy(table_sh.at[src_w.at[p, k]], bufs[k],
                                  sgs[k]).wait()
            pltpu.async_copy(bufs[k], agg_sh.at[dst_w.at[p, k]], sss[k],
                             add=True)

        @pl.when(c == p)
        def _():
            def deg_body(q, carry):
                idx = dst_w[p, q // 8, pl.ds((q % 8) * 16, 16)]
                plsc.addupdate_scatter(deg_v, [idx], ones16)
                return carry

            lax.fori_loop(0, NB * 8, deg_body, 0)

        @pl.when(g + 1 < NBLK)
        def _():
            pltpu.make_async_copy(src_hbm.at[s, pl.ds(0, NB)],
                                  src_w.at[0], sem_i).wait()
            pltpu.make_async_copy(dst_hbm.at[s, pl.ds(0, NB)],
                                  dst_w.at[0], sem_i).wait()

        for k in range(NB):
            pltpu.make_async_copy(bufs[k], agg_sh.at[dst_w.at[p, k]],
                                  sss[k]).wait()

        @pl.when(g + 1 < NBLK)
        def _():
            for k in range(NB):
                pltpu.async_copy(table_sh.at[src_w.at[pn, k]], bufs[k], sgs[k])

        @pl.when(g + 2 < NBLK)
        def _():
            off = (g + 2) * NB
            pltpu.async_copy(src_hbm.at[s, pl.ds(off, NB)], src_w.at[p], sem_i)
            pltpu.async_copy(dst_hbm.at[s, pl.ds(off, NB)], dst_w.at[p], sem_i)

        return carry

    lax.fori_loop(0, NBLK, chunk_body, 0)

    pltpu.sync_copy(deg_v, deg_out.at[c * NS + s])
    plsc.subcore_barrier()
    pltpu.sync_copy(agg_sh.at[pl.ds(base, STRIPE)],
                    agg_out.at[pl.ds(base, STRIPE), c])


def _tc_body(h_ref, agg_ref, deg_ref, w_ref, b_ref, o_ref):
    deg = jnp.sum(deg_ref[...], axis=0)
    inv = 1.0 / jnp.maximum(deg, 1.0)
    cfeat = agg_ref[...] * inv[:, None]
    acc = jnp.dot(h_ref[...], w_ref[:D], preferred_element_type=jnp.float32)
    acc = acc + jnp.dot(cfeat, w_ref[D:], preferred_element_type=jnp.float32)
    o_ref[...] = jnp.maximum(acc + b_ref[...], 0.0)


_tc_combine = pl.pallas_call(
    _tc_body,
    grid=(NP // _BLK,),
    in_specs=[
        pl.BlockSpec((_BLK, D), lambda i: (i, 0)),
        pl.BlockSpec((_BLK, D), lambda i: (i, 0)),
        pl.BlockSpec((NW, _BLK), lambda i: (0, i)),
        pl.BlockSpec((2 * D, D), lambda i: (0, 0)),
        pl.BlockSpec((1, D), lambda i: (0, 0)),
    ],
    out_specs=pl.BlockSpec((_BLK, D), lambda i: (i, 0)),
    out_shape=jax.ShapeDtypeStruct((N, D), jnp.float32),
)


def kernel(h, edge_index, W, b):
    src = edge_index[0]
    dst = edge_index[1]
    pad = E_PAD - E
    src_p = jnp.concatenate([src, jnp.zeros((pad,), jnp.int32)]).reshape(NS, K, CH)
    dst_p = jnp.concatenate([dst, jnp.full((pad,), NP - 1, jnp.int32)]).reshape(NS, K, CH)
    agg, deg = _sc_aggregate(h, src_p, dst_p)
    agg_full = agg.reshape(NP, D)
    return _tc_combine(h, agg_full, deg, W, b.reshape(1, D))

# --- scband reference (transcript-rebuilt; emitter-appended) ---
"""Pipeline reference for scband-graph-sage-layer-12730283065986 (READ-ONLY COPY).

The authoritative reference and input builder live on the scoring server;
editing this copy changes nothing except your own understanding.
"""

import jax, jax.numpy as jnp
import numpy as np

N = 10000
E = 320000
D_IN = 128
D_OUT = 128


def setup_inputs(seed: int = 0) -> dict:
    key = jax.random.key(seed)
    k1, k2, k3, k4 = jax.random.split(key, 4)
    h = jax.random.normal(k1, (N, D_IN), dtype=jnp.float32)
    edge_index = jax.random.randint(k2, (2, E), 0, N, dtype=jnp.int32)
    # Bundler linear: Linear(2*in_feats, out_feats) (concat of self h and aggregated c)
    bound = 1.0 / np.sqrt(2 * D_IN)
    W = jax.random.uniform(k3, (2 * D_IN, D_OUT), dtype=jnp.float32, minval=-bound, maxval=bound)
    b = jax.random.uniform(k4, (D_OUT,), dtype=jnp.float32, minval=-bound, maxval=bound)
    return {"h": h, "edge_index": edge_index, "W": W, "b": b}


def reference(h, edge_index, W, b):
    # GraphSageLayer with MeanAggregator + Bundler, dropout=0.0, bn=False
    # g.update_all(copy_src('h' -> 'm'), mean reduce -> 'c', bundler)
    src = edge_index[0]
    dst = edge_index[1]
    msgs = jnp.take(h, src, axis=0)                      # gather source features along edges
    agg = jax.ops.segment_sum(msgs, dst, num_segments=N)  # scatter-add into destination nodes
    deg = jax.ops.segment_sum(jnp.ones((E,), dtype=jnp.float32), dst, num_segments=N)
    c = agg / jnp.maximum(deg, 1.0)[:, None]             # mean over mailbox (zero for isolated nodes)
    bundle = jnp.concatenate([h, c], axis=1)             # Bundler: concat(h, c)
    out = bundle @ W + b                                 # linear
    return jax.nn.relu(out)                              # activation

if __name__ == "__main__":
    import jax
    _d = setup_inputs()
    print(jax.jit(kernel)(*tuple(_d.values())))

</pallas_src>

<mosaic_0001>
#map = affine_map<(d0, d1) -> (0, 0)>
#map1 = affine_map<(d0, d1) -> (0, 0, 0)>
module attributes {stable_mosaic.version = 14 : i64} {
  func.func @_sc_aggregate(%arg0: i32, %arg1: i32, %arg2: memref<10000x128xf32, #tpu.memory_space<hbm>>, %arg3: memref<16x160x128xi32, #tpu.memory_space<hbm>>, %arg4: memref<16x160x128xi32, #tpu.memory_space<hbm>>, %arg5: memref<10240x2x64xf32, #tpu.memory_space<hbm>>, %arg6: memref<32x10240xf32, #tpu.memory_space<hbm>>, %arg7: memref<2x4x128xi32, #tpu.memory_space<vmem>>, %arg8: memref<2x4x128xi32, #tpu.memory_space<vmem>>, %arg9: memref<128x64xf32, #tpu.memory_space<vmem>>, %arg10: memref<128x64xf32, #tpu.memory_space<vmem>>, %arg11: memref<128x64xf32, #tpu.memory_space<vmem>>, %arg12: memref<128x64xf32, #tpu.memory_space<vmem>>, %arg13: memref<10240xf32, #tpu.memory_space<vmem>>, %arg14: memref<10240x64xf32, #tpu.memory_space<vmem_shared>>, %arg15: memref<10240x64xf32, #tpu.memory_space<vmem_shared>>, %arg16: memref<!tpu.dma_semaphore, #tpu.memory_space<semaphore_mem>>, %arg17: memref<!tpu.dma_semaphore, #tpu.memory_space<semaphore_mem>>, %arg18: memref<!tpu.dma_semaphore, #tpu.memory_space<semaphore_mem>>, %arg19: memref<!tpu.dma_semaphore, #tpu.memory_space<semaphore_mem>>, %arg20: memref<!tpu.dma_semaphore, #tpu.memory_space<semaphore_mem>>, %arg21: memref<!tpu.dma_semaphore, #tpu.memory_space<semaphore_mem>>, %arg22: memref<!tpu.dma_semaphore, #tpu.memory_space<semaphore_mem>>, %arg23: memref<!tpu.dma_semaphore, #tpu.memory_space<semaphore_mem>>, %arg24: memref<!tpu.dma_semaphore, #tpu.memory_space<semaphore_mem>>) attributes {dimension_semantics = [#tpu.dimension_semantics<core_parallel>, #tpu.dimension_semantics<subcore_parallel>], iteration_bounds = array<i64: 2, 16>, scalar_prefetch = 0 : i64, scratch_operands = 18 : i64, tpu.core_type = #tpu.core_type<sc_vector_subcore>, window_params = [{transform_indices = #map}, {transform_indices = #map1}, {transform_indices = #map1}, {transform_indices = #map1}, {transform_indices = #map}]} {
    %broadcast_in_dim3A = arith.constant 0.000000e+00 : f32
    %broadcast_in_dim3A_0 = vector.broadcast %broadcast_in_dim3A : f32 to vector<16xf32>
    %broadcast_in_dim3A_1 = arith.constant 1.000000e+00 : f32
    %broadcast_in_dim3A_2 = vector.broadcast %broadcast_in_dim3A_1 : f32 to vector<16xf32>
    %scan3A = arith.constant 0 : i32
    %scan3A_3 = arith.constant 0 : i32
    %scan3A_4 = arith.constant 128 : i32
    %scan3A_5 = arith.addi %scan3A_3, %scan3A_4 : i32
    %scan3A_6 = arith.constant 1 : i32
    scf.for %scan3A_124 = %scan3A_3 to %scan3A_5 step %scan3A_6  : i32 {
      %swap3A = arith.index_cast %scan3A_124 : i32 to index
      %swap3A_125 = arith.constant 0 : index
      %swap3A_126 = tpu.vector_load %arg9[%swap3A, %swap3A_125] {strides = array<i32>} : memref<128x64xf32, #tpu.memory_space<vmem>>, vector<16xf32>,
      tpu.vector_store %arg9[%swap3A, %swap3A_125], %broadcast_in_dim3A_0 {strides = array<i32>} : memref<128x64xf32, #tpu.memory_space<vmem>>, vector<16xf32>,
      %swap3A_127 = arith.index_cast %scan3A_124 : i32 to index
      %swap3A_128 = arith.constant 16 : index
      %swap3A_129 = tpu.vector_load %arg9[%swap3A_127, %swap3A_128] {strides = array<i32>} : memref<128x64xf32, #tpu.memory_space<vmem>>, vector<16xf32>,
      tpu.vector_store %arg9[%swap3A_127, %swap3A_128], %broadcast_in_dim3A_0 {strides = array<i32>} : memref<128x64xf32, #tpu.memory_space<vmem>>, vector<16xf32>,
      %swap3A_130 = arith.index_cast %scan3A_124 : i32 to index
      %swap3A_131 = arith.constant 32 : index
      %swap3A_132 = tpu.vector_load %arg9[%swap3A_130, %swap3A_131] {strides = array<i32>} : memref<128x64xf32, #tpu.memory_space<vmem>>, vector<16xf32>,
      tpu.vector_store %arg9[%swap3A_130, %swap3A_131], %broadcast_in_dim3A_0 {strides = array<i32>} : memref<128x64xf32, #tpu.memory_space<vmem>>, vector<16xf32>,
      %swap3A_133 = arith.index_cast %scan3A_124 : i32 to index
      %swap3A_134 = arith.constant 48 : index
      %swap3A_135 = tpu.vector_load %arg9[%swap3A_133, %swap3A_134] {strides = array<i32>} : memref<128x64xf32, #tpu.memory_space<vmem>>, vector<16xf32>,
      tpu.vector_store %arg9[%swap3A_133, %swap3A_134], %broadcast_in_dim3A_0 {strides = array<i32>} : memref<128x64xf32, #tpu.memory_space<vmem>>, vector<16xf32>,
    }
    %scan3A_7 = arith.constant 128 : i32
    %scan3A_8 = arith.constant 0 : i32
    %scan3A_9 = arith.constant 0 : i32
    %scan3A_10 = arith.constant 640 : i32
    %scan3A_11 = arith.addi %scan3A_9, %scan3A_10 : i32
    %scan3A_12 = arith.constant 1 : i32
    scf.for %scan3A_124 = %scan3A_9 to %scan3A_11 step %scan3A_12  : i32 {
      %mul3A_125 = arith.constant 16 : i32
      %mul3A_126 = arith.muli %scan3A_124, %mul3A_125 : i32
      %swap3A = arith.index_cast %mul3A_126 : i32 to index
      %swap3A_127 = tpu.vector_load %arg13[%swap3A] {strides = array<i32>} : memref<10240xf32, #tpu.memory_space<vmem>>, vector<16xf32>,
      tpu.vector_store %arg13[%swap3A], %broadcast_in_dim3A_0 {strides = array<i32>} : memref<10240xf32, #tpu.memory_space<vmem>>, vector<16xf32>,
    }
    %scan3A_13 = arith.constant 640 : i32
    %mul3A = arith.constant 640 : i32
    %mul3A_14 = arith.muli %arg1, %mul3A : i32
    %add3A = arith.constant 0 : i32
    %add3A_15 = arith.addi %mul3A_14, %add3A : i32
    "tpu.region"() ({
      %run_scoped3A_124 = tpu.sem_alloc : memref<!tpu.dma_semaphore, #tpu.memory_space<semaphore_mem>>
      %dma_start3A_125 = arith.constant 0 : i32
      %dma_start3A_126 = tpu.memref_slice %arg15[%add3A_15, %dma_start3A_125] : memref<10240x64xf32, #tpu.memory_space<vmem_shared>> -> memref<128x64xf32, #tpu.memory_space<vmem_shared>>
      %dma_start3A_127 = arith.constant 0 : i32
      %dma_start3A_128 = tpu.memref_slice %arg15[%add3A_15, %dma_start3A_127] : memref<10240x64xf32, #tpu.memory_space<vmem_shared>> -> memref<128x64xf32, #tpu.memory_space<vmem_shared>>
      tpu.enqueue_dma source(%arg9 : memref<128x64xf32, #tpu.memory_space<vmem>>) target(%dma_start3A_128 : memref<128x64xf32, #tpu.memory_space<vmem_shared>>) target_semaphore(%run_scoped3A_124 : memref<!tpu.dma_semaphore, #tpu.memory_space<semaphore_mem>>)
      %dma_wait3A = arith.constant 0 : i32
      %dma_wait3A_129 = tpu.memref_slice %arg15[%add3A_15, %dma_wait3A] : memref<10240x64xf32, #tpu.memory_space<vmem_shared>> -> memref<128x64xf32, #tpu.memory_space<vmem_shared>>
      %dma_wait3A_130 = arith.constant 0 : i32
      %dma_wait3A_131 = tpu.memref_slice %arg15[%add3A_15, %dma_wait3A_130] : memref<10240x64xf32, #tpu.memory_space<vmem_shared>> -> memref<128x64xf32, #tpu.memory_space<vmem_shared>>
      tpu.wait_dma2 semaphore(%run_scoped3A_124 : memref<!tpu.dma_semaphore, #tpu.memory_space<semaphore_mem>>) src(%arg9 : memref<128x64xf32, #tpu.memory_space<vmem>>) dst(%dma_wait3A_131 : memref<128x64xf32, #tpu.memory_space<vmem_shared>>)
      tpu.yield
    }) : () -> ()
    %add3A_16 = arith.constant 128 : i32
    %add3A_17 = arith.addi %mul3A_14, %add3A_16 : i32
    "tpu.region"() ({
      %run_scoped3A_124 = tpu.sem_alloc : memref<!tpu.dma_semaphore, #tpu.memory_space<semaphore_mem>>
      %dma_start3A_125 = arith.constant 0 : i32
      %dma_start3A_126 = tpu.memref_slice %arg15[%add3A_17, %dma_start3A_125] : memref<10240x64xf32, #tpu.memory_space<vmem_shared>> -> memref<128x64xf32, #tpu.memory_space<vmem_shared>>
      %dma_start3A_127 = arith.constant 0 : i32
      %dma_start3A_128 = tpu.memref_slice %arg15[%add3A_17, %dma_start3A_127] : memref<10240x64xf32, #tpu.memory_space<vmem_shared>> -> memref<128x64xf32, #tpu.memory_space<vmem_shared>>
      tpu.enqueue_dma source(%arg9 : memref<128x64xf32, #tpu.memory_space<vmem>>) target(%dma_start3A_128 : memref<128x64xf32, #tpu.memory_space<vmem_shared>>) target_semaphore(%run_scoped3A_124 : memref<!tpu.dma_semaphore, #tpu.memory_space<semaphore_mem>>)
      %dma_wait3A = arith.constant 0 : i32
      %dma_wait3A_129 = tpu.memref_slice %arg15[%add3A_17, %dma_wait3A] : memref<10240x64xf32, #tpu.memory_space<vmem_shared>> -> memref<128x64xf32, #tpu.memory_space<vmem_shared>>
      %dma_wait3A_130 = arith.constant 0 : i32
      %dma_wait3A_131 = tpu.memref_slice %arg15[%add3A_17, %dma_wait3A_130] : memref<10240x64xf32, #tpu.memory_space<vmem_shared>> -> memref<128x64xf32, #tpu.memory_space<vmem_shared>>
      tpu.wait_dma2 semaphore(%run_scoped3A_124 : memref<!tpu.dma_semaphore, #tpu.memory_space<semaphore_mem>>) src(%arg9 : memref<128x64xf32, #tpu.memory_space<vmem>>) dst(%dma_wait3A_131 : memref<128x64xf32, #tpu.memory_space<vmem_shared>>)
      tpu.yield
    }) : () -> ()
    %add3A_18 = arith.constant 256 : i32
    %add3A_19 = arith.addi %mul3A_14, %add3A_18 : i32
    "tpu.region"() ({
      %run_scoped3A_124 = tpu.sem_alloc : memref<!tpu.dma_semaphore, #tpu.memory_space<semaphore_mem>>
      %dma_start3A_125 = arith.constant 0 : i32
      %dma_start3A_126 = tpu.memref_slice %arg15[%add3A_19, %dma_start3A_125] : memref<10240x64xf32, #tpu.memory_space<vmem_shared>> -> memref<128x64xf32, #tpu.memory_space<vmem_shared>>
      %dma_start3A_127 = arith.constant 0 : i32
      %dma_start3A_128 = tpu.memref_slice %arg15[%add3A_19, %dma_start3A_127] : memref<10240x64xf32, #tpu.memory_space<vmem_shared>> -> memref<128x64xf32, #tpu.memory_space<vmem_shared>>
      tpu.enqueue_dma source(%arg9 : memref<128x64xf32, #tpu.memory_space<vmem>>) target(%dma_start3A_128 : memref<128x64xf32, #tpu.memory_space<vmem_shared>>) target_semaphore(%run_scoped3A_124 : memref<!tpu.dma_semaphore, #tpu.memory_space<semaphore_mem>>)
      %dma_wait3A = arith.constant 0 : i32
      %dma_wait3A_129 = tpu.memref_slice %arg15[%add3A_19, %dma_wait3A] : memref<10240x64xf32, #tpu.memory_space<vmem_shared>> -> memref<128x64xf32, #tpu.memory_space<vmem_shared>>
      %dma_wait3A_130 = arith.constant 0 : i32
      %dma_wait3A_131 = tpu.memref_slice %arg15[%add3A_19, %dma_wait3A_130] : memref<10240x64xf32, #tpu.memory_space<vmem_shared>> -> memref<128x64xf32, #tpu.memory_space<vmem_shared>>
      tpu.wait_dma2 semaphore(%run_scoped3A_124 : memref<!tpu.dma_semaphore, #tpu.memory_space<semaphore_mem>>) src(%arg9 : memref<128x64xf32, #tpu.memory_space<vmem>>) dst(%dma_wait3A_131 : memref<128x64xf32, #tpu.memory_space<vmem_shared>>)
      tpu.yield
    }) : () -> ()
    %add3A_20 = arith.constant 384 : i32
    %add3A_21 = arith.addi %mul3A_14, %add3A_20 : i32
    "tpu.region"() ({
      %run_scoped3A_124 = tpu.sem_alloc : memref<!tpu.dma_semaphore, #tpu.memory_space<semaphore_mem>>
      %dma_start3A_125 = arith.constant 0 : i32
      %dma_start3A_126 = tpu.memref_slice %arg15[%add3A_21, %dma_start3A_125] : memref<10240x64xf32, #tpu.memory_space<vmem_shared>> -> memref<128x64xf32, #tpu.memory_space<vmem_shared>>
      %dma_start3A_127 = arith.constant 0 : i32
      %dma_start3A_128 = tpu.memref_slice %arg15[%add3A_21, %dma_start3A_127] : memref<10240x64xf32, #tpu.memory_space<vmem_shared>> -> memref<128x64xf32, #tpu.memory_space<vmem_shared>>
      tpu.enqueue_dma source(%arg9 : memref<128x64xf32, #tpu.memory_space<vmem>>) target(%dma_start3A_128 : memref<128x64xf32, #tpu.memory_space<vmem_shared>>) target_semaphore(%run_scoped3A_124 : memref<!tpu.dma_semaphore, #tpu.memory_space<semaphore_mem>>)
      %dma_wait3A = arith.constant 0 : i32
      %dma_wait3A_129 = tpu.memref_slice %arg15[%add3A_21, %dma_wait3A] : memref<10240x64xf32, #tpu.memory_space<vmem_shared>> -> memref<128x64xf32, #tpu.memory_space<vmem_shared>>
      %dma_wait3A_130 = arith.constant 0 : i32
      %dma_wait3A_131 = tpu.memref_slice %arg15[%add3A_21, %dma_wait3A_130] : memref<10240x64xf32, #tpu.memory_space<vmem_shared>> -> memref<128x64xf32, #tpu.memory_space<vmem_shared>>
      tpu.wait_dma2 semaphore(%run_scoped3A_124 : memref<!tpu.dma_semaphore, #tpu.memory_space<semaphore_mem>>) src(%arg9 : memref<128x64xf32, #tpu.memory_space<vmem>>) dst(%dma_wait3A_131 : memref<128x64xf32, #tpu.memory_space<vmem_shared>>)
      tpu.yield
    }) : () -> ()
    %add3A_22 = arith.constant 512 : i32
    %add3A_23 = arith.addi %mul3A_14, %add3A_22 : i32
    "tpu.region"() ({
      %run_scoped3A_124 = tpu.sem_alloc : memref<!tpu.dma_semaphore, #tpu.memory_space<semaphore_mem>>
      %dma_start3A_125 = arith.constant 0 : i32
      %dma_start3A_126 = tpu.memref_slice %arg15[%add3A_23, %dma_start3A_125] : memref<10240x64xf32, #tpu.memory_space<vmem_shared>> -> memref<128x64xf32, #tpu.memory_space<vmem_shared>>
      %dma_start3A_127 = arith.constant 0 : i32
      %dma_start3A_128 = tpu.memref_slice %arg15[%add3A_23, %dma_start3A_127] : memref<10240x64xf32, #tpu.memory_space<vmem_shared>> -> memref<128x64xf32, #tpu.memory_space<vmem_shared>>
      tpu.enqueue_dma source(%arg9 : memref<128x64xf32, #tpu.memory_space<vmem>>) target(%dma_start3A_128 : memref<128x64xf32, #tpu.memory_space<vmem_shared>>) target_semaphore(%run_scoped3A_124 : memref<!tpu.dma_semaphore, #tpu.memory_space<semaphore_mem>>)
      %dma_wait3A = arith.constant 0 : i32
      %dma_wait3A_129 = tpu.memref_slice %arg15[%add3A_23, %dma_wait3A] : memref<10240x64xf32, #tpu.memory_space<vmem_shared>> -> memref<128x64xf32, #tpu.memory_space<vmem_shared>>
      %dma_wait3A_130 = arith.constant 0 : i32
      %dma_wait3A_131 = tpu.memref_slice %arg15[%add3A_23, %dma_wait3A_130] : memref<10240x64xf32, #tpu.memory_space<vmem_shared>> -> memref<128x64xf32, #tpu.memory_space<vmem_shared>>
      tpu.wait_dma2 semaphore(%run_scoped3A_124 : memref<!tpu.dma_semaphore, #tpu.memory_space<semaphore_mem>>) src(%arg9 : memref<128x64xf32, #tpu.memory_space<vmem>>) dst(%dma_wait3A_131 : memref<128x64xf32, #tpu.memory_space<vmem_shared>>)
      tpu.yield
    }) : () -> ()
    %add3A_24 = arith.constant 0 : i32
    %add3A_25 = arith.addi %mul3A_14, %add3A_24 : i32
    %mul3A_26 = arith.constant 64 : i32
    %mul3A_27 = arith.muli %arg0, %mul3A_26 : i32
    %add3A_28 = arith.constant 0 : i32
    %add3A_29 = arith.addi %mul3A_14, %add3A_28 : i32
    "tpu.region"() ({
      %run_scoped3A_124 = tpu.sem_alloc : memref<!tpu.dma_semaphore, #tpu.memory_space<semaphore_mem>>
      %dma_start3A_125 = arith.constant 0 : i32
      %dma_start3A_126 = tpu.memref_slice %arg14[%add3A_29, %dma_start3A_125] : memref<10240x64xf32, #tpu.memory_space<vmem_shared>> -> memref<128x64xf32, #tpu.memory_space<vmem_shared>>
      %dma_start3A_127 = tpu.memref_slice %arg2[%add3A_25, %mul3A_27] : memref<10000x128xf32, #tpu.memory_space<hbm>> -> memref<128x64xf32, #tpu.memory_space<hbm>>
      tpu.enqueue_dma source(%dma_start3A_127 : memref<128x64xf32, #tpu.memory_space<hbm>>) target(%dma_start3A_126 : memref<128x64xf32, #tpu.memory_space<vmem_shared>>) target_semaphore(%run_scoped3A_124 : memref<!tpu.dma_semaphore, #tpu.memory_space<semaphore_mem>>)
      %dma_wait3A = arith.constant 0 : i32
      %dma_wait3A_128 = tpu.memref_slice %arg14[%add3A_29, %dma_wait3A] : memref<10240x64xf32, #tpu.memory_space<vmem_shared>> -> memref<128x64xf32, #tpu.memory_space<vmem_shared>>
      %dma_wait3A_129 = tpu.memref_slice %arg2[%add3A_25, %mul3A_27] : memref<10000x128xf32, #tpu.memory_space<hbm>> -> memref<128x64xf32, #tpu.memory_space<hbm>>
      tpu.wait_dma2 semaphore(%run_scoped3A_124 : memref<!tpu.dma_semaphore, #tpu.memory_space<semaphore_mem>>) src(%dma_wait3A_129 : memref<128x64xf32, #tpu.memory_space<hbm>>) dst(%dma_wait3A_128 : memref<128x64xf32, #tpu.memory_space<vmem_shared>>)
      tpu.yield
    }) : () -> ()
    %add3A_30 = arith.constant 128 : i32
    %add3A_31 = arith.addi %mul3A_14, %add3A_30 : i32
    %mul3A_32 = arith.constant 64 : i32
    %mul3A_33 = arith.muli %arg0, %mul3A_32 : i32
    %add3A_34 = arith.constant 128 : i32
    %add3A_35 = arith.addi %mul3A_14, %add3A_34 : i32
    "tpu.region"() ({
      %run_scoped3A_124 = tpu.sem_alloc : memref<!tpu.dma_semaphore, #tpu.memory_space<semaphore_mem>>
      %dma_start3A_125 = arith.constant 0 : i32
      %dma_start3A_126 = tpu.memref_slice %arg14[%add3A_35, %dma_start3A_125] : memref<10240x64xf32, #tpu.memory_space<vmem_shared>> -> memref<128x64xf32, #tpu.memory_space<vmem_shared>>
      %dma_start3A_127 = tpu.memref_slice %arg2[%add3A_31, %mul3A_33] : memref<10000x128xf32, #tpu.memory_space<hbm>> -> memref<128x64xf32, #tpu.memory_space<hbm>>
      tpu.enqueue_dma source(%dma_start3A_127 : memref<128x64xf32, #tpu.memory_space<hbm>>) target(%dma_start3A_126 : memref<128x64xf32, #tpu.memory_space<vmem_shared>>) target_semaphore(%run_scoped3A_124 : memref<!tpu.dma_semaphore, #tpu.memory_space<semaphore_mem>>)
      %dma_wait3A = arith.constant 0 : i32
      %dma_wait3A_128 = tpu.memref_slice %arg14[%add3A_35, %dma_wait3A] : memref<10240x64xf32, #tpu.memory_space<vmem_shared>> -> memref<128x64xf32, #tpu.memory_space<vmem_shared>>
      %dma_wait3A_129 = tpu.memref_slice %arg2[%add3A_31, %mul3A_33] : memref<10000x128xf32, #tpu.memory_space<hbm>> -> memref<128x64xf32, #tpu.memory_space<hbm>>
      tpu.wait_dma2 semaphore(%run_scoped3A_124 : memref<!tpu.dma_semaphore, #tpu.memory_space<semaphore_mem>>) src(%dma_wait3A_129 : memref<128x64xf32, #tpu.memory_space<hbm>>) dst(%dma_wait3A_128 : memref<128x64xf32, #tpu.memory_space<vmem_shared>>)
      tpu.yield
    }) : () -> ()
    %add3A_36 = arith.constant 256 : i32
    %add3A_37 = arith.addi %mul3A_14, %add3A_36 : i32
    %mul3A_38 = arith.constant 64 : i32
    %mul3A_39 = arith.muli %arg0, %mul3A_38 : i32
    %add3A_40 = arith.constant 256 : i32
    %add3A_41 = arith.addi %mul3A_14, %add3A_40 : i32
    "tpu.region"() ({
      %run_scoped3A_124 = tpu.sem_alloc : memref<!tpu.dma_semaphore, #tpu.memory_space<semaphore_mem>>
      %dma_start3A_125 = arith.constant 0 : i32
      %dma_start3A_126 = tpu.memref_slice %arg14[%add3A_41, %dma_start3A_125] : memref<10240x64xf32, #tpu.memory_space<vmem_shared>> -> memref<128x64xf32, #tpu.memory_space<vmem_shared>>
      %dma_start3A_127 = tpu.memref_slice %arg2[%add3A_37, %mul3A_39] : memref<10000x128xf32, #tpu.memory_space<hbm>> -> memref<128x64xf32, #tpu.memory_space<hbm>>
      tpu.enqueue_dma source(%dma_start3A_127 : memref<128x64xf32, #tpu.memory_space<hbm>>) target(%dma_start3A_126 : memref<128x64xf32, #tpu.memory_space<vmem_shared>>) target_semaphore(%run_scoped3A_124 : memref<!tpu.dma_semaphore, #tpu.memory_space<semaphore_mem>>)
      %dma_wait3A = arith.constant 0 : i32
      %dma_wait3A_128 = tpu.memref_slice %arg14[%add3A_41, %dma_wait3A] : memref<10240x64xf32, #tpu.memory_space<vmem_shared>> -> memref<128x64xf32, #tpu.memory_space<vmem_shared>>
      %dma_wait3A_129 = tpu.memref_slice %arg2[%add3A_37, %mul3A_39] : memref<10000x128xf32, #tpu.memory_space<hbm>> -> memref<128x64xf32, #tpu.memory_space<hbm>>
      tpu.wait_dma2 semaphore(%run_scoped3A_124 : memref<!tpu.dma_semaphore, #tpu.memory_space<semaphore_mem>>) src(%dma_wait3A_129 : memref<128x64xf32, #tpu.memory_space<hbm>>) dst(%dma_wait3A_128 : memref<128x64xf32, #tpu.memory_space<vmem_shared>>)
      tpu.yield
    }) : () -> ()
    %lt3A = arith.constant 15 : i32
    %lt3A_42 = arith.cmpi slt, %arg1, %lt3A : i32
    %convert_element_type3A = arith.extui %lt3A_42 : i1 to i32
    %cond3A = arith.constant 0 : i32
    %cond3A_43 = arith.cmpi ne, %convert_element_type3A, %cond3A : i32
    scf.if %cond3A_43 {
      %add3A_124 = arith.constant 384 : i32
      %add3A_125 = arith.addi %mul3A_14, %add3A_124 : i32
      %mul3A_126 = arith.constant 64 : i32
      %mul3A_127 = arith.muli %arg0, %mul3A_126 : i32
      %add3A_128 = arith.constant 384 : i32
      %add3A_129 = arith.addi %mul3A_14, %add3A_128 : i32
      "tpu.region"() ({
        %run_scoped3A_136 = tpu.sem_alloc : memref<!tpu.dma_semaphore, #tpu.memory_space<semaphore_mem>>
        %dma_start3A_137 = arith.constant 0 : i32
        %dma_start3A_138 = tpu.memref_slice %arg14[%add3A_129, %dma_start3A_137] : memref<10240x64xf32, #tpu.memory_space<vmem_shared>> -> memref<128x64xf32, #tpu.memory_space<vmem_shared>>
        %dma_start3A_139 = tpu.memref_slice %arg2[%add3A_125, %mul3A_127] : memref<10000x128xf32, #tpu.memory_space<hbm>> -> memref<128x64xf32, #tpu.memory_space<hbm>>
        tpu.enqueue_dma source(%dma_start3A_139 : memref<128x64xf32, #tpu.memory_space<hbm>>) target(%dma_start3A_138 : memref<128x64xf32, #tpu.memory_space<vmem_shared>>) target_semaphore(%run_scoped3A_136 : memref<!tpu.dma_semaphore, #tpu.memory_space<semaphore_mem>>)
        %dma_wait3A = arith.constant 0 : i32
        %dma_wait3A_140 = tpu.memref_slice %arg14[%add3A_129, %dma_wait3A] : memref<10240x64xf32, #tpu.memory_space<vmem_shared>> -> memref<128x64xf32, #tpu.memory_space<vmem_shared>>
        %dma_wait3A_141 = tpu.memref_slice %arg2[%add3A_125, %mul3A_127] : memref<10000x128xf32, #tpu.memory_space<hbm>> -> memref<128x64xf32, #tpu.memory_space<hbm>>
        tpu.wait_dma2 semaphore(%run_scoped3A_136 : memref<!tpu.dma_semaphore, #tpu.memory_space<semaphore_mem>>) src(%dma_wait3A_141 : memref<128x64xf32, #tpu.memory_space<hbm>>) dst(%dma_wait3A_140 : memref<128x64xf32, #tpu.memory_space<vmem_shared>>)
        tpu.yield
      }) : () -> ()
      %add3A_130 = arith.constant 512 : i32
      %add3A_131 = arith.addi %mul3A_14, %add3A_130 : i32
      %mul3A_132 = arith.constant 64 : i32
      %mul3A_133 = arith.muli %arg0, %mul3A_132 : i32
      %add3A_134 = arith.constant 512 : i32
      %add3A_135 = arith.addi %mul3A_14, %add3A_134 : i32
      "tpu.region"() ({
        %run_scoped3A_136 = tpu.sem_alloc : memref<!tpu.dma_semaphore, #tpu.memory_space<semaphore_mem>>
        %dma_start3A_137 = arith.constant 0 : i32
        %dma_start3A_138 = tpu.memref_slice %arg14[%add3A_135, %dma_start3A_137] : memref<10240x64xf32, #tpu.memory_space<vmem_shared>> -> memref<128x64xf32, #tpu.memory_space<vmem_shared>>
        %dma_start3A_139 = tpu.memref_slice %arg2[%add3A_131, %mul3A_133] : memref<10000x128xf32, #tpu.memory_space<hbm>> -> memref<128x64xf32, #tpu.memory_space<hbm>>
        tpu.enqueue_dma source(%dma_start3A_139 : memref<128x64xf32, #tpu.memory_space<hbm>>) target(%dma_start3A_138 : memref<128x64xf32, #tpu.memory_space<vmem_shared>>) target_semaphore(%run_scoped3A_136 : memref<!tpu.dma_semaphore, #tpu.memory_space<semaphore_mem>>)
        %dma_wait3A = arith.constant 0 : i32
        %dma_wait3A_140 = tpu.memref_slice %arg14[%add3A_135, %dma_wait3A] : memref<10240x64xf32, #tpu.memory_space<vmem_shared>> -> memref<128x64xf32, #tpu.memory_space<vmem_shared>>
        %dma_wait3A_141 = tpu.memref_slice %arg2[%add3A_131, %mul3A_133] : memref<10000x128xf32, #tpu.memory_space<hbm>> -> memref<128x64xf32, #tpu.memory_space<hbm>>
        tpu.wait_dma2 semaphore(%run_scoped3A_136 : memref<!tpu.dma_semaphore, #tpu.memory_space<semaphore_mem>>) src(%dma_wait3A_141 : memref<128x64xf32, #tpu.memory_space<hbm>>) dst(%dma_wait3A_140 : memref<128x64xf32, #tpu.memory_space<vmem_shared>>)
        tpu.yield
      }) : () -> ()
    } else {
    }
    %eq3A = arith.constant 15 : i32
    %eq3A_44 = arith.cmpi eq, %arg1, %eq3A : i32
    %convert_element_type3A_45 = arith.extui %eq3A_44 : i1 to i32
    %cond3A_46 = arith.constant 0 : i32
    %cond3A_47 = arith.cmpi ne, %convert_element_type3A_45, %cond3A_46 : i32
    scf.if %cond3A_47 {
      %add3A_124 = arith.constant 384 : i32
      %add3A_125 = arith.addi %mul3A_14, %add3A_124 : i32
      %mul3A_126 = arith.constant 64 : i32
      %mul3A_127 = arith.muli %arg0, %mul3A_126 : i32
      %add3A_128 = arith.constant 384 : i32
      %add3A_129 = arith.addi %mul3A_14, %add3A_128 : i32
      "tpu.region"() ({
        %run_scoped3A_130 = tpu.sem_alloc : memref<!tpu.dma_semaphore, #tpu.memory_space<semaphore_mem>>
        %dma_start3A_131 = arith.constant 0 : i32
        %dma_start3A_132 = tpu.memref_slice %arg14[%add3A_129, %dma_start3A_131] : memref<10240x64xf32, #tpu.memory_space<vmem_shared>> -> memref<16x64xf32, #tpu.memory_space<vmem_shared>>
        %dma_start3A_133 = tpu.memref_slice %arg2[%add3A_125, %mul3A_127] : memref<10000x128xf32, #tpu.memory_space<hbm>> -> memref<16x64xf32, #tpu.memory_space<hbm>>
        tpu.enqueue_dma source(%dma_start3A_133 : memref<16x64xf32, #tpu.memory_space<hbm>>) target(%dma_start3A_132 : memref<16x64xf32, #tpu.memory_space<vmem_shared>>) target_semaphore(%run_scoped3A_130 : memref<!tpu.dma_semaphore, #tpu.memory_space<semaphore_mem>>)
        %dma_wait3A = arith.constant 0 : i32
        %dma_wait3A_134 = tpu.memref_slice %arg14[%add3A_129, %dma_wait3A] : memref<10240x64xf32, #tpu.memory_space<vmem_shared>> -> memref<16x64xf32, #tpu.memory_space<vmem_shared>>
        %dma_wait3A_135 = tpu.memref_slice %arg2[%add3A_125, %mul3A_127] : memref<10000x128xf32, #tpu.memory_space<hbm>> -> memref<16x64xf32, #tpu.memory_space<hbm>>
        tpu.wait_dma2 semaphore(%run_scoped3A_130 : memref<!tpu.dma_semaphore, #tpu.memory_space<semaphore_mem>>) src(%dma_wait3A_135 : memref<16x64xf32, #tpu.memory_space<hbm>>) dst(%dma_wait3A_134 : memref<16x64xf32, #tpu.memory_space<vmem_shared>>)
        tpu.yield
      }) : () -> ()
    } else {
    }
    %run_scoped3A = arith.constant 0 : i32
    "tpu.region"() ({
      %run_scoped3A_124 = tpu.sem_alloc : memref<!tpu.dma_semaphore, #tpu.memory_space<semaphore_mem>>
      %dma_start3A_125 = arith.constant 0 : i32
      %dma_start3A_126 = arith.constant 0 : i32
      %dma_start3A_127 = tpu.memref_slice %arg7[%run_scoped3A, %dma_start3A_125, %dma_start3A_126] : memref<2x4x128xi32, #tpu.memory_space<vmem>> -> memref<1x4x128xi32, #tpu.memory_space<vmem>>
      %dma_start3A_128 = tpu.memref_squeeze %dma_start3A_127 : memref<1x4x128xi32, #tpu.memory_space<vmem>> -> memref<4x128xi32, #tpu.memory_space<vmem>>
      %dma_start3A_129 = arith.constant 0 : i32
      %dma_start3A_130 = arith.constant 0 : i32
      %dma_start3A_131 = tpu.memref_slice %arg3[%arg1, %dma_start3A_129, %dma_start3A_130] : memref<16x160x128xi32, #tpu.memory_space<hbm>> -> memref<1x4x128xi32, #tpu.memory_space<hbm>>
      %dma_start3A_132 = tpu.memref_squeeze %dma_start3A_131 : memref<1x4x128xi32, #tpu.memory_space<hbm>> -> memref<4x128xi32, #tpu.memory_space<hbm>>
      %dma_start3A_133 = arith.constant 0 : i32
      %dma_start3A_134 = arith.constant 0 : i32
      %dma_start3A_135 = tpu.memref_slice %arg7[%run_scoped3A, %dma_start3A_133, %dma_start3A_134] : memref<2x4x128xi32, #tpu.memory_space<vmem>> -> memref<1x4x128xi32, #tpu.memory_space<vmem>>
      %dma_start3A_136 = tpu.memref_squeeze %dma_start3A_135 : memref<1x4x128xi32, #tpu.memory_space<vmem>> -> memref<4x128xi32, #tpu.memory_space<vmem>>
      %dma_start3A_137 = arith.constant 0 : i32
      %dma_start3A_138 = arith.constant 0 : i32
      %dma_start3A_139 = tpu.memref_slice %arg3[%arg1, %dma_start3A_137, %dma_start3A_138] : memref<16x160x128xi32, #tpu.memory_space<hbm>> -> memref<1x4x128xi32, #tpu.memory_space<hbm>>
      %dma_start3A_140 = tpu.memref_squeeze %dma_start3A_139 : memref<1x4x128xi32, #tpu.memory_space<hbm>> -> memref<4x128xi32, #tpu.memory_space<hbm>>
      tpu.enqueue_dma source(%dma_start3A_140 : memref<4x128xi32, #tpu.memory_space<hbm>>) target(%dma_start3A_136 : memref<4x128xi32, #tpu.memory_space<vmem>>) target_semaphore(%run_scoped3A_124 : memref<!tpu.dma_semaphore, #tpu.memory_space<semaphore_mem>>)
      %dma_wait3A = arith.constant 0 : i32
      %dma_wait3A_141 = arith.constant 0 : i32
      %dma_wait3A_142 = tpu.memref_slice %arg7[%run_scoped3A, %dma_wait3A, %dma_wait3A_141] : memref<2x4x128xi32, #tpu.memory_space<vmem>> -> memref<1x4x128xi32, #tpu.memory_space<vmem>>
      %dma_wait3A_143 = tpu.memref_squeeze %dma_wait3A_142 : memref<1x4x128xi32, #tpu.memory_space<vmem>> -> memref<4x128xi32, #tpu.memory_space<vmem>>
      %dma_wait3A_144 = arith.constant 0 : i32
      %dma_wait3A_145 = arith.constant 0 : i32
      %dma_wait3A_146 = tpu.memref_slice %arg3[%arg1, %dma_wait3A_144, %dma_wait3A_145] : memref<16x160x128xi32, #tpu.memory_space<hbm>> -> memref<1x4x128xi32, #tpu.memory_space<hbm>>
      %dma_wait3A_147 = tpu.memref_squeeze %dma_wait3A_146 : memref<1x4x128xi32, #tpu.memory_space<hbm>> -> memref<4x128xi32, #tpu.memory_space<hbm>>
      %dma_wait3A_148 = arith.constant 0 : i32
      %dma_wait3A_149 = arith.constant 0 : i32
      %dma_wait3A_150 = tpu.memref_slice %arg7[%run_scoped3A, %dma_wait3A_148, %dma_wait3A_149] : memref<2x4x128xi32, #tpu.memory_space<vmem>> -> memref<1x4x128xi32, #tpu.memory_space<vmem>>
      %dma_wait3A_151 = tpu.memref_squeeze %dma_wait3A_150 : memref<1x4x128xi32, #tpu.memory_space<vmem>> -> memref<4x128xi32, #tpu.memory_space<vmem>>
      %dma_wait3A_152 = arith.constant 0 : i32
      %dma_wait3A_153 = arith.constant 0 : i32
      %dma_wait3A_154 = tpu.memref_slice %arg3[%arg1, %dma_wait3A_152, %dma_wait3A_153] : memref<16x160x128xi32, #tpu.memory_space<hbm>> -> memref<1x4x128xi32, #tpu.memory_space<hbm>>
      %dma_wait3A_155 = tpu.memref_squeeze %dma_wait3A_154 : memref<1x4x128xi32, #tpu.memory_space<hbm>> -> memref<4x128xi32, #tpu.memory_space<hbm>>
      tpu.wait_dma2 semaphore(%run_scoped3A_124 : memref<!tpu.dma_semaphore, #tpu.memory_space<semaphore_mem>>) src(%dma_wait3A_155 : memref<4x128xi32, #tpu.memory_space<hbm>>) dst(%dma_wait3A_151 : memref<4x128xi32, #tpu.memory_space<vmem>>)
      tpu.yield
    }) : () -> ()
    %run_scoped3A_48 = arith.constant 0 : i32
    "tpu.region"() ({
      %run_scoped3A_124 = tpu.sem_alloc : memref<!tpu.dma_semaphore, #tpu.memory_space<semaphore_mem>>
      %dma_start3A_125 = arith.constant 0 : i32
      %dma_start3A_126 = arith.constant 0 : i32
      %dma_start3A_127 = tpu.memref_slice %arg8[%run_scoped3A_48, %dma_start3A_125, %dma_start3A_126] : memref<2x4x128xi32, #tpu.memory_space<vmem>> -> memref<1x4x128xi32, #tpu.memory_space<vmem>>
      %dma_start3A_128 = tpu.memref_squeeze %dma_start3A_127 : memref<1x4x128xi32, #tpu.memory_space<vmem>> -> memref<4x128xi32, #tpu.memory_space<vmem>>
      %dma_start3A_129 = arith.constant 0 : i32
      %dma_start3A_130 = arith.constant 0 : i32
      %dma_start3A_131 = tpu.memref_slice %arg4[%arg1, %dma_start3A_129, %dma_start3A_130] : memref<16x160x128xi32, #tpu.memory_space<hbm>> -> memref<1x4x128xi32, #tpu.memory_space<hbm>>
      %dma_start3A_132 = tpu.memref_squeeze %dma_start3A_131 : memref<1x4x128xi32, #tpu.memory_space<hbm>> -> memref<4x128xi32, #tpu.memory_space<hbm>>
      %dma_start3A_133 = arith.constant 0 : i32
      %dma_start3A_134 = arith.constant 0 : i32
      %dma_start3A_135 = tpu.memref_slice %arg8[%run_scoped3A_48, %dma_start3A_133, %dma_start3A_134] : memref<2x4x128xi32, #tpu.memory_space<vmem>> -> memref<1x4x128xi32, #tpu.memory_space<vmem>>
      %dma_start3A_136 = tpu.memref_squeeze %dma_start3A_135 : memref<1x4x128xi32, #tpu.memory_space<vmem>> -> memref<4x128xi32, #tpu.memory_space<vmem>>
      %dma_start3A_137 = arith.constant 0 : i32
      %dma_start3A_138 = arith.constant 0 : i32
      %dma_start3A_139 = tpu.memref_slice %arg4[%arg1, %dma_start3A_137, %dma_start3A_138] : memref<16x160x128xi32, #tpu.memory_space<hbm>> -> memref<1x4x128xi32, #tpu.memory_space<hbm>>
      %dma_start3A_140 = tpu.memref_squeeze %dma_start3A_139 : memref<1x4x128xi32, #tpu.memory_space<hbm>> -> memref<4x128xi32, #tpu.memory_space<hbm>>
      tpu.enqueue_dma source(%dma_start3A_140 : memref<4x128xi32, #tpu.memory_space<hbm>>) target(%dma_start3A_136 : memref<4x128xi32, #tpu.memory_space<vmem>>) target_semaphore(%run_scoped3A_124 : memref<!tpu.dma_semaphore, #tpu.memory_space<semaphore_mem>>)
      %dma_wait3A = arith.constant 0 : i32
      %dma_wait3A_141 = arith.constant 0 : i32
      %dma_wait3A_142 = tpu.memref_slice %arg8[%run_scoped3A_48, %dma_wait3A, %dma_wait3A_141] : memref<2x4x128xi32, #tpu.memory_space<vmem>> -> memref<1x4x128xi32, #tpu.memory_space<vmem>>
      %dma_wait3A_143 = tpu.memref_squeeze %dma_wait3A_142 : memref<1x4x128xi32, #tpu.memory_space<vmem>> -> memref<4x128xi32, #tpu.memory_space<vmem>>
      %dma_wait3A_144 = arith.constant 0 : i32
      %dma_wait3A_145 = arith.constant 0 : i32
      %dma_wait3A_146 = tpu.memref_slice %arg4[%arg1, %dma_wait3A_144, %dma_wait3A_145] : memref<16x160x128xi32, #tpu.memory_space<hbm>> -> memref<1x4x128xi32, #tpu.memory_space<hbm>>
      %dma_wait3A_147 = tpu.memref_squeeze %dma_wait3A_146 : memref<1x4x128xi32, #tpu.memory_space<hbm>> -> memref<4x128xi32, #tpu.memory_space<hbm>>
      %dma_wait3A_148 = arith.constant 0 : i32
      %dma_wait3A_149 = arith.constant 0 : i32
      %dma_wait3A_150 = tpu.memref_slice %arg8[%run_scoped3A_48, %dma_wait3A_148, %dma_wait3A_149] : memref<2x4x128xi32, #tpu.memory_space<vmem>> -> memref<1x4x128xi32, #tpu.memory_space<vmem>>
      %dma_wait3A_151 = tpu.memref_squeeze %dma_wait3A_150 : memref<1x4x128xi32, #tpu.memory_space<vmem>> -> memref<4x128xi32, #tpu.memory_space<vmem>>
      %dma_wait3A_152 = arith.constant 0 : i32
      %dma_wait3A_153 = arith.constant 0 : i32
      %dma_wait3A_154 = tpu.memref_slice %arg4[%arg1, %dma_wait3A_152, %dma_wait3A_153] : memref<16x160x128xi32, #tpu.memory_space<hbm>> -> memref<1x4x128xi32, #tpu.memory_space<hbm>>
      %dma_wait3A_155 = tpu.memref_squeeze %dma_wait3A_154 : memref<1x4x128xi32, #tpu.memory_space<hbm>> -> memref<4x128xi32, #tpu.memory_space<hbm>>
      tpu.wait_dma2 semaphore(%run_scoped3A_124 : memref<!tpu.dma_semaphore, #tpu.memory_space<semaphore_mem>>) src(%dma_wait3A_155 : memref<4x128xi32, #tpu.memory_space<hbm>>) dst(%dma_wait3A_151 : memref<4x128xi32, #tpu.memory_space<vmem>>)
      tpu.yield
    }) : () -> ()
    %dma_start3A = arith.constant 1 : i32
    %dma_start3A_49 = arith.constant 0 : i32
    %dma_start3A_50 = arith.constant 0 : i32
    %dma_start3A_51 = tpu.memref_slice %arg7[%dma_start3A, %dma_start3A_49, %dma_start3A_50] : memref<2x4x128xi32, #tpu.memory_space<vmem>> -> memref<1x4x128xi32, #tpu.memory_space<vmem>>
    %dma_start3A_52 = tpu.memref_squeeze %dma_start3A_51 : memref<1x4x128xi32, #tpu.memory_space<vmem>> -> memref<4x128xi32, #tpu.memory_space<vmem>>
    %dma_start3A_53 = arith.constant 4 : i32
    %dma_start3A_54 = arith.constant 0 : i32
    %dma_start3A_55 = tpu.memref_slice %arg3[%arg1, %dma_start3A_53, %dma_start3A_54] : memref<16x160x128xi32, #tpu.memory_space<hbm>> -> memref<1x4x128xi32, #tpu.memory_space<hbm>>
    %dma_start3A_56 = tpu.memref_squeeze %dma_start3A_55 : memref<1x4x128xi32, #tpu.memory_space<hbm>> -> memref<4x128xi32, #tpu.memory_space<hbm>>
    %dma_start3A_57 = arith.constant 0 : i32
    %dma_start3A_58 = arith.constant 0 : i32
    %dma_start3A_59 = tpu.memref_slice %arg7[%dma_start3A, %dma_start3A_57, %dma_start3A_58] : memref<2x4x128xi32, #tpu.memory_space<vmem>> -> memref<1x4x128xi32, #tpu.memory_space<vmem>>
    %dma_start3A_60 = tpu.memref_squeeze %dma_start3A_59 : memref<1x4x128xi32, #tpu.memory_space<vmem>> -> memref<4x128xi32, #tpu.memory_space<vmem>>
    %dma_start3A_61 = arith.constant 4 : i32
    %dma_start3A_62 = arith.constant 0 : i32
    %dma_start3A_63 = tpu.memref_slice %arg3[%arg1, %dma_start3A_61, %dma_start3A_62] : memref<16x160x128xi32, #tpu.memory_space<hbm>> -> memref<1x4x128xi32, #tpu.memory_space<hbm>>
    %dma_start3A_64 = tpu.memref_squeeze %dma_start3A_63 : memref<1x4x128xi32, #tpu.memory_space<hbm>> -> memref<4x128xi32, #tpu.memory_space<hbm>>
    tpu.enqueue_dma source(%dma_start3A_64 : memref<4x128xi32, #tpu.memory_space<hbm>>) target(%dma_start3A_60 : memref<4x128xi32, #tpu.memory_space<vmem>>) target_semaphore(%arg24 : memref<!tpu.dma_semaphore, #tpu.memory_space<semaphore_mem>>)
    %dma_start3A_65 = arith.constant 1 : i32
    %dma_start3A_66 = arith.constant 0 : i32
    %dma_start3A_67 = arith.constant 0 : i32
    %dma_start3A_68 = tpu.memref_slice %arg8[%dma_start3A_65, %dma_start3A_66, %dma_start3A_67] : memref<2x4x128xi32, #tpu.memory_space<vmem>> -> memref<1x4x128xi32, #tpu.memory_space<vmem>>
    %dma_start3A_69 = tpu.memref_squeeze %dma_start3A_68 : memref<1x4x128xi32, #tpu.memory_space<vmem>> -> memref<4x128xi32, #tpu.memory_space<vmem>>
    %dma_start3A_70 = arith.constant 4 : i32
    %dma_start3A_71 = arith.constant 0 : i32
    %dma_start3A_72 = tpu.memref_slice %arg4[%arg1, %dma_start3A_70, %dma_start3A_71] : memref<16x160x128xi32, #tpu.memory_space<hbm>> -> memref<1x4x128xi32, #tpu.memory_space<hbm>>
    %dma_start3A_73 = tpu.memref_squeeze %dma_start3A_72 : memref<1x4x128xi32, #tpu.memory_space<hbm>> -> memref<4x128xi32, #tpu.memory_space<hbm>>
    %dma_start3A_74 = arith.constant 0 : i32
    %dma_start3A_75 = arith.constant 0 : i32
    %dma_start3A_76 = tpu.memref_slice %arg8[%dma_start3A_65, %dma_start3A_74, %dma_start3A_75] : memref<2x4x128xi32, #tpu.memory_space<vmem>> -> memref<1x4x128xi32, #tpu.memory_space<vmem>>
    %dma_start3A_77 = tpu.memref_squeeze %dma_start3A_76 : memref<1x4x128xi32, #tpu.memory_space<vmem>> -> memref<4x128xi32, #tpu.memory_space<vmem>>
    %dma_start3A_78 = arith.constant 4 : i32
    %dma_start3A_79 = arith.constant 0 : i32
    %dma_start3A_80 = tpu.memref_slice %arg4[%arg1, %dma_start3A_78, %dma_start3A_79] : memref<16x160x128xi32, #tpu.memory_space<hbm>> -> memref<1x4x128xi32, #tpu.memory_space<hbm>>
    %dma_start3A_81 = tpu.memref_squeeze %dma_start3A_80 : memref<1x4x128xi32, #tpu.memory_space<hbm>> -> memref<4x128xi32, #tpu.memory_space<hbm>>
    tpu.enqueue_dma source(%dma_start3A_81 : memref<4x128xi32, #tpu.memory_space<hbm>>) target(%dma_start3A_77 : memref<4x128xi32, #tpu.memory_space<vmem>>) target_semaphore(%arg24 : memref<!tpu.dma_semaphore, #tpu.memory_space<semaphore_mem>>)
    %barrier3A = arith.constant 0 : index
    tpu.barrier barrier_id(%barrier3A)
    %dma_start3A_82 = arith.constant 0 : i32
    %dma_start3A_83 = arith.constant 0 : i32
    %dma_start3A_84 = arith.constant 0 : i32
    %dma_start3A_85 = tpu.memref_slice %arg7[%dma_start3A_82, %dma_start3A_83, %dma_start3A_84] : memref<2x4x128xi32, #tpu.memory_space<vmem>> -> memref<1x1x128xi32, #tpu.memory_space<vmem>>
    %dma_start3A_86 = tpu.memref_squeeze %dma_start3A_85 : memref<1x1x128xi32, #tpu.memory_space<vmem>> -> memref<128xi32, #tpu.memory_space<vmem>>
    %dma_start3A_87 = arith.constant 0 : i32
    %dma_start3A_88 = arith.constant 0 : i32
    %dma_start3A_89 = tpu.memref_slice %arg14[%dma_start3A_87, %dma_start3A_88] : memref<10240x64xf32, #tpu.memory_space<vmem_shared>> -> memref<10240x64xf32, #tpu.memory_space<vmem_shared>>
    tpu.enqueue_indirect_dma source(%dma_start3A_89 : memref<10240x64xf32, #tpu.memory_space<vmem_shared>>) target(%arg9 : memref<128x64xf32, #tpu.memory_space<vmem>>) offsets(%dma_start3A_86 : memref<128xi32, #tpu.memory_space<vmem>>) semaphore(%arg16 : memref<!tpu.dma_semaphore, #tpu.memory_space<semaphore_mem>>)
    %dma_start3A_90 = arith.constant 0 : i32
    %dma_start3A_91 = arith.constant 1 : i32
    %dma_start3A_92 = arith.constant 0 : i32
    %dma_start3A_93 = tpu.memref_slice %arg7[%dma_start3A_90, %dma_start3A_91, %dma_start3A_92] : memref<2x4x128xi32, #tpu.memory_space<vmem>> -> memref<1x1x128xi32, #tpu.memory_space<vmem>>
    %dma_start3A_94 = tpu.memref_squeeze %dma_start3A_93 : memref<1x1x128xi32, #tpu.memory_space<vmem>> -> memref<128xi32, #tpu.memory_space<vmem>>
    %dma_start3A_95 = arith.constant 0 : i32
    %dma_start3A_96 = arith.constant 0 : i32
    %dma_start3A_97 = tpu.memref_slice %arg14[%dma_start3A_95, %dma_start3A_96] : memref<10240x64xf32, #tpu.memory_space<vmem_shared>> -> memref<10240x64xf32, #tpu.memory_space<vmem_shared>>
    tpu.enqueue_indirect_dma source(%dma_start3A_97 : memref<10240x64xf32, #tpu.memory_space<vmem_shared>>) target(%arg10 : memref<128x64xf32, #tpu.memory_space<vmem>>) offsets(%dma_start3A_94 : memref<128xi32, #tpu.memory_space<vmem>>) semaphore(%arg17 : memref<!tpu.dma_semaphore, #tpu.memory_space<semaphore_mem>>)
    %dma_start3A_98 = arith.constant 0 : i32
    %dma_start3A_99 = arith.constant 2 : i32
    %dma_start3A_100 = arith.constant 0 : i32
    %dma_start3A_101 = tpu.memref_slice %arg7[%dma_start3A_98, %dma_start3A_99, %dma_start3A_100] : memref<2x4x128xi32, #tpu.memory_space<vmem>> -> memref<1x1x128xi32, #tpu.memory_space<vmem>>
    %dma_start3A_102 = tpu.memref_squeeze %dma_start3A_101 : memref<1x1x128xi32, #tpu.memory_space<vmem>> -> memref<128xi32, #tpu.memory_space<vmem>>
    %dma_start3A_103 = arith.constant 0 : i32
    %dma_start3A_104 = arith.constant 0 : i32
    %dma_start3A_105 = tpu.memref_slice %arg14[%dma_start3A_103, %dma_start3A_104] : memref<10240x64xf32, #tpu.memory_space<vmem_shared>> -> memref<10240x64xf32, #tpu.memory_space<vmem_shared>>
    tpu.enqueue_indirect_dma source(%dma_start3A_105 : memref<10240x64xf32, #tpu.memory_space<vmem_shared>>) target(%arg11 : memref<128x64xf32, #tpu.memory_space<vmem>>) offsets(%dma_start3A_102 : memref<128xi32, #tpu.memory_space<vmem>>) semaphore(%arg18 : memref<!tpu.dma_semaphore, #tpu.memory_space<semaphore_mem>>)
    %dma_start3A_106 = arith.constant 0 : i32
    %dma_start3A_107 = arith.constant 3 : i32
    %dma_start3A_108 = arith.constant 0 : i32
    %dma_start3A_109 = tpu.memref_slice %arg7[%dma_start3A_106, %dma_start3A_107, %dma_start3A_108] : memref<2x4x128xi32, #tpu.memory_space<vmem>> -> memref<1x1x128xi32, #tpu.memory_space<vmem>>
    %dma_start3A_110 = tpu.memref_squeeze %dma_start3A_109 : memref<1x1x128xi32, #tpu.memory_space<vmem>> -> memref<128xi32, #tpu.memory_space<vmem>>
    %dma_start3A_111 = arith.constant 0 : i32
    %dma_start3A_112 = arith.constant 0 : i32
    %dma_start3A_113 = tpu.memref_slice %arg14[%dma_start3A_111, %dma_start3A_112] : memref<10240x64xf32, #tpu.memory_space<vmem_shared>> -> memref<10240x64xf32, #tpu.memory_space<vmem_shared>>
    tpu.enqueue_indirect_dma source(%dma_start3A_113 : memref<10240x64xf32, #tpu.memory_space<vmem_shared>>) target(%arg12 : memref<128x64xf32, #tpu.memory_space<vmem>>) offsets(%dma_start3A_110 : memref<128xi32, #tpu.memory_space<vmem>>) semaphore(%arg19 : memref<!tpu.dma_semaphore, #tpu.memory_space<semaphore_mem>>)
    %scan3A_114 = arith.constant 0 : i32
    %scan3A_115 = arith.constant 0 : i32
    %scan3A_116 = arith.constant 40 : i32
    %scan3A_117 = arith.addi %scan3A_115, %scan3A_116 : i32
    %scan3A_118 = arith.constant 1 : i32
    scf.for %scan3A_124 = %scan3A_115 to %scan3A_117 step %scan3A_118  : i32 {
      %jit3A = arith.constant 2 : i32
      %eq3A_125 = arith.constant 0 : i32
      %eq3A_126 = arith.cmpi eq, %jit3A, %eq3A_125 : i32
      %jit3A_127 = arith.constant 1 : i32
      %select_n3A = arith.select %eq3A_126, %jit3A_127, %jit3A : i32
      %rem3A = arith.remsi %scan3A_124, %select_n3A : i32
      %ne3A = arith.constant 0 : i32
      %ne3A_128 = arith.cmpi ne, %rem3A, %ne3A : i32
      %lt3A_129 = arith.constant 0 : i32
      %lt3A_130 = arith.cmpi slt, %rem3A, %lt3A_129 : i32
      %lt3A_131 = arith.constant 0 : i32
      %lt3A_132 = arith.cmpi slt, %select_n3A, %lt3A_131 : i32
      %ne3A_133 = arith.xori %lt3A_130, %lt3A_132 : i1
      %and3A = arith.andi %ne3A_133, %ne3A_128 : i1
      %add3A_134 = arith.addi %rem3A, %select_n3A : i32
      %select_n3A_135 = arith.select %and3A, %add3A_134, %rem3A : i32
      %add3A_136 = arith.constant 1 : i32
      %add3A_137 = arith.addi %scan3A_124, %add3A_136 : i32
      %jit3A_138 = arith.constant 2 : i32
      %eq3A_139 = arith.constant 0 : i32
      %eq3A_140 = arith.cmpi eq, %jit3A_138, %eq3A_139 : i32
      %jit3A_141 = arith.constant 1 : i32
      %select_n3A_142 = arith.select %eq3A_140, %jit3A_141, %jit3A_138 : i32
      %rem3A_143 = arith.remsi %add3A_137, %select_n3A_142 : i32
      %ne3A_144 = arith.constant 0 : i32
      %ne3A_145 = arith.cmpi ne, %rem3A_143, %ne3A_144 : i32
      %lt3A_146 = arith.constant 0 : i32
      %lt3A_147 = arith.cmpi slt, %rem3A_143, %lt3A_146 : i32
      %lt3A_148 = arith.constant 0 : i32
      %lt3A_149 = arith.cmpi slt, %select_n3A_142, %lt3A_148 : i32
      %ne3A_150 = arith.xori %lt3A_147, %lt3A_149 : i1
      %and3A_151 = arith.andi %ne3A_150, %ne3A_145 : i1
      %add3A_152 = arith.addi %rem3A_143, %select_n3A_142 : i32
      %select_n3A_153 = arith.select %and3A_151, %add3A_152, %rem3A_143 : i32
      %dma_wait3A = arith.constant 0 : i32
      %dma_wait3A_154 = arith.constant 0 : i32
      %dma_wait3A_155 = tpu.memref_slice %arg7[%select_n3A_135, %dma_wait3A, %dma_wait3A_154] : memref<2x4x128xi32, #tpu.memory_space<vmem>> -> memref<1x1x128xi32, #tpu.memory_space<vmem>>
      %dma_wait3A_156 = tpu.memref_squeeze %dma_wait3A_155 : memref<1x1x128xi32, #tpu.memory_space<vmem>> -> memref<128xi32, #tpu.memory_space<vmem>>
      %dma_wait3A_157 = arith.constant 0 : i32
      %dma_wait3A_158 = arith.constant 0 : i32
      %dma_wait3A_159 = tpu.memref_slice %arg14[%dma_wait3A_157, %dma_wait3A_158] : memref<10240x64xf32, #tpu.memory_space<vmem_shared>> -> memref<10240x64xf32, #tpu.memory_space<vmem_shared>>
      tpu.wait_indirect_dma semaphore(%arg16 : memref<!tpu.dma_semaphore, #tpu.memory_space<semaphore_mem>>) src(%dma_wait3A_159 : memref<10240x64xf32, #tpu.memory_space<vmem_shared>>) dst(%arg9 : memref<128x64xf32, #tpu.memory_space<vmem>>)
      %dma_start3A_160 = arith.constant 0 : i32
      %dma_start3A_161 = arith.constant 0 : i32
      %dma_start3A_162 = tpu.memref_slice %arg8[%select_n3A_135, %dma_start3A_160, %dma_start3A_161] : memref<2x4x128xi32, #tpu.memory_space<vmem>> -> memref<1x1x128xi32, #tpu.memory_space<vmem>>
      %dma_start3A_163 = tpu.memref_squeeze %dma_start3A_162 : memref<1x1x128xi32, #tpu.memory_space<vmem>> -> memref<128xi32, #tpu.memory_space<vmem>>
      %dma_start3A_164 = arith.constant 0 : i32
      %dma_start3A_165 = arith.constant 0 : i32
      %dma_start3A_166 = tpu.memref_slice %arg15[%dma_start3A_164, %dma_start3A_165] : memref<10240x64xf32, #tpu.memory_space<vmem_shared>> -> memref<10240x64xf32, #tpu.memory_space<vmem_shared>>
      tpu.enqueue_indirect_dma source(%arg9 : memref<128x64xf32, #tpu.memory_space<vmem>>) target(%dma_start3A_166 : memref<10240x64xf32, #tpu.memory_space<vmem_shared>>) offsets(%dma_start3A_163 : memref<128xi32, #tpu.memory_space<vmem>>) semaphore(%arg20 : memref<!tpu.dma_semaphore, #tpu.memory_space<semaphore_mem>>) {add = true}
      %dma_wait3A_167 = arith.constant 1 : i32
      %dma_wait3A_168 = arith.constant 0 : i32
      %dma_wait3A_169 = tpu.memref_slice %arg7[%select_n3A_135, %dma_wait3A_167, %dma_wait3A_168] : memref<2x4x128xi32, #tpu.memory_space<vmem>> -> memref<1x1x128xi32, #tpu.memory_space<vmem>>
      %dma_wait3A_170 = tpu.memref_squeeze %dma_wait3A_169 : memref<1x1x128xi32, #tpu.memory_space<vmem>> -> memref<128xi32, #tpu.memory_space<vmem>>
      %dma_wait3A_171 = arith.constant 0 : i32
      %dma_wait3A_172 = arith.constant 0 : i32
      %dma_wait3A_173 = tpu.memref_slice %arg14[%dma_wait3A_171, %dma_wait3A_172] : memref<10240x64xf32, #tpu.memory_space<vmem_shared>> -> memref<10240x64xf32, #tpu.memory_space<vmem_shared>>
      tpu.wait_indirect_dma semaphore(%arg17 : memref<!tpu.dma_semaphore, #tpu.memory_space<semaphore_mem>>) src(%dma_wait3A_173 : memref<10240x64xf32, #tpu.memory_space<vmem_shared>>) dst(%arg10 : memref<128x64xf32, #tpu.memory_space<vmem>>)
      %dma_start3A_174 = arith.constant 1 : i32
      %dma_start3A_175 = arith.constant 0 : i32
      %dma_start3A_176 = tpu.memref_slice %arg8[%select_n3A_135, %dma_start3A_174, %dma_start3A_175] : memref<2x4x128xi32, #tpu.memory_space<vmem>> -> memref<1x1x128xi32, #tpu.memory_space<vmem>>
      %dma_start3A_177 = tpu.memref_squeeze %dma_start3A_176 : memref<1x1x128xi32, #tpu.memory_space<vmem>> -> memref<128xi32, #tpu.memory_space<vmem>>
      %dma_start3A_178 = arith.constant 0 : i32
      %dma_start3A_179 = arith.constant 0 : i32
      %dma_start3A_180 = tpu.memref_slice %arg15[%dma_start3A_178, %dma_start3A_179] : memref<10240x64xf32, #tpu.memory_space<vmem_shared>> -> memref<10240x64xf32, #tpu.memory_space<vmem_shared>>
      tpu.enqueue_indirect_dma source(%arg10 : memref<128x64xf32, #tpu.memory_space<vmem>>) target(%dma_start3A_180 : memref<10240x64xf32, #tpu.memory_space<vmem_shared>>) offsets(%dma_start3A_177 : memref<128xi32, #tpu.memory_space<vmem>>) semaphore(%arg21 : memref<!tpu.dma_semaphore, #tpu.memory_space<semaphore_mem>>) {add = true}
      %dma_wait3A_181 = arith.constant 2 : i32
      %dma_wait3A_182 = arith.constant 0 : i32
      %dma_wait3A_183 = tpu.memref_slice %arg7[%select_n3A_135, %dma_wait3A_181, %dma_wait3A_182] : memref<2x4x128xi32, #tpu.memory_space<vmem>> -> memref<1x1x128xi32, #tpu.memory_space<vmem>>
      %dma_wait3A_184 = tpu.memref_squeeze %dma_wait3A_183 : memref<1x1x128xi32, #tpu.memory_space<vmem>> -> memref<128xi32, #tpu.memory_space<vmem>>
      %dma_wait3A_185 = arith.constant 0 : i32
      %dma_wait3A_186 = arith.constant 0 : i32
      %dma_wait3A_187 = tpu.memref_slice %arg14[%dma_wait3A_185, %dma_wait3A_186] : memref<10240x64xf32, #tpu.memory_space<vmem_shared>> -> memref<10240x64xf32, #tpu.memory_space<vmem_shared>>
      tpu.wait_indirect_dma semaphore(%arg18 : memref<!tpu.dma_semaphore, #tpu.memory_space<semaphore_mem>>) src(%dma_wait3A_187 : memref<10240x64xf32, #tpu.memory_space<vmem_shared>>) dst(%arg11 : memref<128x64xf32, #tpu.memory_space<vmem>>)
      %dma_start3A_188 = arith.constant 2 : i32
      %dma_start3A_189 = arith.constant 0 : i32
      %dma_start3A_190 = tpu.memref_slice %arg8[%select_n3A_135, %dma_start3A_188, %dma_start3A_189] : memref<2x4x128xi32, #tpu.memory_space<vmem>> -> memref<1x1x128xi32, #tpu.memory_space<vmem>>
      %dma_start3A_191 = tpu.memref_squeeze %dma_start3A_190 : memref<1x1x128xi32, #tpu.memory_space<vmem>> -> memref<128xi32, #tpu.memory_space<vmem>>
      %dma_start3A_192 = arith.constant 0 : i32
      %dma_start3A_193 = arith.constant 0 : i32
      %dma_start3A_194 = tpu.memref_slice %arg15[%dma_start3A_192, %dma_start3A_193] : memref<10240x64xf32, #tpu.memory_space<vmem_shared>> -> memref<10240x64xf32, #tpu.memory_space<vmem_shared>>
      tpu.enqueue_indirect_dma source(%arg11 : memref<128x64xf32, #tpu.memory_space<vmem>>) target(%dma_start3A_194 : memref<10240x64xf32, #tpu.memory_space<vmem_shared>>) offsets(%dma_start3A_191 : memref<128xi32, #tpu.memory_space<vmem>>) semaphore(%arg22 : memref<!tpu.dma_semaphore, #tpu.memory_space<semaphore_mem>>) {add = true}
      %dma_wait3A_195 = arith.constant 3 : i32
      %dma_wait3A_196 = arith.constant 0 : i32
      %dma_wait3A_197 = tpu.memref_slice %arg7[%select_n3A_135, %dma_wait3A_195, %dma_wait3A_196] : memref<2x4x128xi32, #tpu.memory_space<vmem>> -> memref<1x1x128xi32, #tpu.memory_space<vmem>>
      %dma_wait3A_198 = tpu.memref_squeeze %dma_wait3A_197 : memref<1x1x128xi32, #tpu.memory_space<vmem>> -> memref<128xi32, #tpu.memory_space<vmem>>
      %dma_wait3A_199 = arith.constant 0 : i32
      %dma_wait3A_200 = arith.constant 0 : i32
      %dma_wait3A_201 = tpu.memref_slice %arg14[%dma_wait3A_199, %dma_wait3A_200] : memref<10240x64xf32, #tpu.memory_space<vmem_shared>> -> memref<10240x64xf32, #tpu.memory_space<vmem_shared>>
      tpu.wait_indirect_dma semaphore(%arg19 : memref<!tpu.dma_semaphore, #tpu.memory_space<semaphore_mem>>) src(%dma_wait3A_201 : memref<10240x64xf32, #tpu.memory_space<vmem_shared>>) dst(%arg12 : memref<128x64xf32, #tpu.memory_space<vmem>>)
      %dma_start3A_202 = arith.constant 3 : i32
      %dma_start3A_203 = arith.constant 0 : i32
      %dma_start3A_204 = tpu.memref_slice %arg8[%select_n3A_135, %dma_start3A_202, %dma_start3A_203] : memref<2x4x128xi32, #tpu.memory_space<vmem>> -> memref<1x1x128xi32, #tpu.memory_space<vmem>>
      %dma_start3A_205 = tpu.memref_squeeze %dma_start3A_204 : memref<1x1x128xi32, #tpu.memory_space<vmem>> -> memref<128xi32, #tpu.memory_space<vmem>>
      %dma_start3A_206 = arith.constant 0 : i32
      %dma_start3A_207 = arith.constant 0 : i32
      %dma_start3A_208 = tpu.memref_slice %arg15[%dma_start3A_206, %dma_start3A_207] : memref<10240x64xf32, #tpu.memory_space<vmem_shared>> -> memref<10240x64xf32, #tpu.memory_space<vmem_shared>>
      tpu.enqueue_indirect_dma source(%arg12 : memref<128x64xf32, #tpu.memory_space<vmem>>) target(%dma_start3A_208 : memref<10240x64xf32, #tpu.memory_space<vmem_shared>>) offsets(%dma_start3A_205 : memref<128xi32, #tpu.memory_space<vmem>>) semaphore(%arg23 : memref<!tpu.dma_semaphore, #tpu.memory_space<semaphore_mem>>) {add = true}
      %eq3A_209 = arith.cmpi eq, %arg0, %select_n3A_135 : i32
      %convert_element_type3A_210 = arith.extui %eq3A_209 : i1 to i32
      %cond3A_211 = arith.constant 0 : i32
      %cond3A_212 = arith.cmpi ne, %convert_element_type3A_210, %cond3A_211 : i32
      scf.if %cond3A_212 {
        %scan3A_262 = arith.constant 0 : i32
        %scan3A_263 = arith.constant 0 : i32
        %scan3A_264 = arith.constant 32 : i32
        %scan3A_265 = arith.addi %scan3A_263, %scan3A_264 : i32
        %scan3A_266 = arith.constant 1 : i32
        scf.for %scan3A_268 = %scan3A_263 to %scan3A_265 step %scan3A_266  : i32 {
          %jit3A_269 = arith.constant 8 : i32
          %div3A = arith.divsi %scan3A_268, %jit3A_269 : i32
          %sign3A = arith.constant 0 : i32
          %sign3A_270 = arith.cmpi sgt, %scan3A_268, %sign3A : i32
          %sign3A_271 = arith.extui %sign3A_270 : i1 to i32
          %sign3A_272 = arith.constant 0 : i32
          %sign3A_273 = arith.cmpi slt, %scan3A_268, %sign3A_272 : i32
          %sign3A_274 = arith.extui %sign3A_273 : i1 to i32
          %sign3A_275 = arith.subi %sign3A_271, %sign3A_274 : i32
          %sign3A_276 = arith.constant 0 : i32
          %sign3A_277 = arith.cmpi sgt, %jit3A_269, %sign3A_276 : i32
          %sign3A_278 = arith.extui %sign3A_277 : i1 to i32
          %sign3A_279 = arith.constant 0 : i32
          %sign3A_280 = arith.cmpi slt, %jit3A_269, %sign3A_279 : i32
          %sign3A_281 = arith.extui %sign3A_280 : i1 to i32
          %sign3A_282 = arith.subi %sign3A_278, %sign3A_281 : i32
          %ne3A_283 = arith.cmpi ne, %sign3A_275, %sign3A_282 : i32
          %rem3A_284 = arith.remsi %scan3A_268, %jit3A_269 : i32
          %ne3A_285 = arith.constant 0 : i32
          %ne3A_286 = arith.cmpi ne, %rem3A_284, %ne3A_285 : i32
          %and3A_287 = arith.andi %ne3A_283, %ne3A_286 : i1
          %sub3A = arith.constant 1 : i32
          %sub3A_288 = arith.subi %div3A, %sub3A : i32
          %select_n3A_289 = arith.select %and3A_287, %sub3A_288, %div3A : i32
          %jit3A_290 = arith.constant 8 : i32
          %eq3A_291 = arith.constant 0 : i32
          %eq3A_292 = arith.cmpi eq, %jit3A_290, %eq3A_291 : i32
          %jit3A_293 = arith.constant 1 : i32
          %select_n3A_294 = arith.select %eq3A_292, %jit3A_293, %jit3A_290 : i32
          %rem3A_295 = arith.remsi %scan3A_268, %select_n3A_294 : i32
          %ne3A_296 = arith.constant 0 : i32
          %ne3A_297 = arith.cmpi ne, %rem3A_295, %ne3A_296 : i32
          %lt3A_298 = arith.constant 0 : i32
          %lt3A_299 = arith.cmpi slt, %rem3A_295, %lt3A_298 : i32
          %lt3A_300 = arith.constant 0 : i32
          %lt3A_301 = arith.cmpi slt, %select_n3A_294, %lt3A_300 : i32
          %ne3A_302 = arith.xori %lt3A_299, %lt3A_301 : i1
          %and3A_303 = arith.andi %ne3A_302, %ne3A_297 : i1
          %add3A_304 = arith.addi %rem3A_295, %select_n3A_294 : i32
          %select_n3A_305 = arith.select %and3A_303, %add3A_304, %rem3A_295 : i32
          %mul3A_306 = arith.constant 16 : i32
          %mul3A_307 = arith.muli %select_n3A_305, %mul3A_306 : i32
          %get3A = arith.index_cast %select_n3A_135 : i32 to index
          %get3A_308 = arith.index_cast %select_n3A_289 : i32 to index
          %get3A_309 = arith.index_cast %mul3A_307 : i32 to index
          %get3A_310 = tpu.vector_load %arg8[%get3A, %get3A_308, %get3A_309] {strides = array<i32>} : memref<2x4x128xi32, #tpu.memory_space<vmem>>, vector<16xi32>,
          tpu.vector_store_idx %arg13[%get3A_310], %broadcast_in_dim3A_2 {add = true} : memref<10240xf32, #tpu.memory_space<vmem>>[vector<16xi32>], vector<16xf32>,
        }
        %scan3A_267 = arith.constant 32 : i32
      } else {
      }
      %add3A_213 = arith.constant 1 : i32
      %add3A_214 = arith.addi %scan3A_124, %add3A_213 : i32
      %lt3A_215 = arith.constant 40 : i32
      %lt3A_216 = arith.cmpi slt, %add3A_214, %lt3A_215 : i32
      %convert_element_type3A_217 = arith.extui %lt3A_216 : i1 to i32
      %cond3A_218 = arith.constant 0 : i32
      %cond3A_219 = arith.cmpi ne, %convert_element_type3A_217, %cond3A_218 : i32
      scf.if %cond3A_219 {
        %dma_wait3A_262 = arith.constant 0 : i32
        %dma_wait3A_263 = arith.constant 0 : i32
        %dma_wait3A_264 = arith.constant 0 : i32
        %dma_wait3A_265 = tpu.memref_slice %arg7[%dma_wait3A_262, %dma_wait3A_263, %dma_wait3A_264] : memref<2x4x128xi32, #tpu.memory_space<vmem>> -> memref<1x4x128xi32, #tpu.memory_space<vmem>>
        %dma_wait3A_266 = tpu.memref_squeeze %dma_wait3A_265 : memref<1x4x128xi32, #tpu.memory_space<vmem>> -> memref<4x128xi32, #tpu.memory_space<vmem>>
        %dma_wait3A_267 = arith.constant 0 : i32
        %dma_wait3A_268 = arith.constant 0 : i32
        %dma_wait3A_269 = tpu.memref_slice %arg3[%arg1, %dma_wait3A_267, %dma_wait3A_268] : memref<16x160x128xi32, #tpu.memory_space<hbm>> -> memref<1x4x128xi32, #tpu.memory_space<hbm>>
        %dma_wait3A_270 = tpu.memref_squeeze %dma_wait3A_269 : memref<1x4x128xi32, #tpu.memory_space<hbm>> -> memref<4x128xi32, #tpu.memory_space<hbm>>
        %dma_wait3A_271 = arith.constant 0 : i32
        %dma_wait3A_272 = arith.constant 0 : i32
        %dma_wait3A_273 = tpu.memref_slice %arg7[%dma_wait3A_262, %dma_wait3A_271, %dma_wait3A_272] : memref<2x4x128xi32, #tpu.memory_space<vmem>> -> memref<1x4x128xi32, #tpu.memory_space<vmem>>
        %dma_wait3A_274 = tpu.memref_squeeze %dma_wait3A_273 : memref<1x4x128xi32, #tpu.memory_space<vmem>> -> memref<4x128xi32, #tpu.memory_space<vmem>>
        %dma_wait3A_275 = arith.constant 0 : i32
        %dma_wait3A_276 = arith.constant 0 : i32
        %dma_wait3A_277 = tpu.memref_slice %arg3[%arg1, %dma_wait3A_275, %dma_wait3A_276] : memref<16x160x128xi32, #tpu.memory_space<hbm>> -> memref<1x4x128xi32, #tpu.memory_space<hbm>>
        %dma_wait3A_278 = tpu.memref_squeeze %dma_wait3A_277 : memref<1x4x128xi32, #tpu.memory_space<hbm>> -> memref<4x128xi32, #tpu.memory_space<hbm>>
        tpu.wait_dma2 semaphore(%arg24 : memref<!tpu.dma_semaphore, #tpu.memory_space<semaphore_mem>>) src(%dma_wait3A_278 : memref<4x128xi32, #tpu.memory_space<hbm>>) dst(%dma_wait3A_274 : memref<4x128xi32, #tpu.memory_space<vmem>>)
        %dma_wait3A_279 = arith.constant 0 : i32
        %dma_wait3A_280 = arith.constant 0 : i32
        %dma_wait3A_281 = arith.constant 0 : i32
        %dma_wait3A_282 = tpu.memref_slice %arg8[%dma_wait3A_279, %dma_wait3A_280, %dma_wait3A_281] : memref<2x4x128xi32, #tpu.memory_space<vmem>> -> memref<1x4x128xi32, #tpu.memory_space<vmem>>
        %dma_wait3A_283 = tpu.memref_squeeze %dma_wait3A_282 : memref<1x4x128xi32, #tpu.memory_space<vmem>> -> memref<4x128xi32, #tpu.memory_space<vmem>>
        %dma_wait3A_284 = arith.constant 0 : i32
        %dma_wait3A_285 = arith.constant 0 : i32
        %dma_wait3A_286 = tpu.memref_slice %arg4[%arg1, %dma_wait3A_284, %dma_wait3A_285] : memref<16x160x128xi32, #tpu.memory_space<hbm>> -> memref<1x4x128xi32, #tpu.memory_space<hbm>>
        %dma_wait3A_287 = tpu.memref_squeeze %dma_wait3A_286 : memref<1x4x128xi32, #tpu.memory_space<hbm>> -> memref<4x128xi32, #tpu.memory_space<hbm>>
        %dma_wait3A_288 = arith.constant 0 : i32
        %dma_wait3A_289 = arith.constant 0 : i32
        %dma_wait3A_290 = tpu.memref_slice %arg8[%dma_wait3A_279, %dma_wait3A_288, %dma_wait3A_289] : memref<2x4x128xi32, #tpu.memory_space<vmem>> -> memref<1x4x128xi32, #tpu.memory_space<vmem>>
        %dma_wait3A_291 = tpu.memref_squeeze %dma_wait3A_290 : memref<1x4x128xi32, #tpu.memory_space<vmem>> -> memref<4x128xi32, #tpu.memory_space<vmem>>
        %dma_wait3A_292 = arith.constant 0 : i32
        %dma_wait3A_293 = arith.constant 0 : i32
        %dma_wait3A_294 = tpu.memref_slice %arg4[%arg1, %dma_wait3A_292, %dma_wait3A_293] : memref<16x160x128xi32, #tpu.memory_space<hbm>> -> memref<1x4x128xi32, #tpu.memory_space<hbm>>
        %dma_wait3A_295 = tpu.memref_squeeze %dma_wait3A_294 : memref<1x4x128xi32, #tpu.memory_space<hbm>> -> memref<4x128xi32, #tpu.memory_space<hbm>>
        tpu.wait_dma2 semaphore(%arg24 : memref<!tpu.dma_semaphore, #tpu.memory_space<semaphore_mem>>) src(%dma_wait3A_295 : memref<4x128xi32, #tpu.memory_space<hbm>>) dst(%dma_wait3A_291 : memref<4x128xi32, #tpu.memory_space<vmem>>)
      } else {
      }
      %dma_wait3A_220 = arith.constant 0 : i32
      %dma_wait3A_221 = arith.constant 0 : i32
      %dma_wait3A_222 = tpu.memref_slice %arg8[%select_n3A_135, %dma_wait3A_220, %dma_wait3A_221] : memref<2x4x128xi32, #tpu.memory_space<vmem>> -> memref<1x1x128xi32, #tpu.memory_space<vmem>>
      %dma_wait3A_223 = tpu.memref_squeeze %dma_wait3A_222 : memref<1x1x128xi32, #tpu.memory_space<vmem>> -> memref<128xi32, #tpu.memory_space<vmem>>
      %dma_wait3A_224 = arith.constant 0 : i32
      %dma_wait3A_225 = arith.constant 0 : i32
      %dma_wait3A_226 = tpu.memref_slice %arg15[%dma_wait3A_224, %dma_wait3A_225] : memref<10240x64xf32, #tpu.memory_space<vmem_shared>> -> memref<10240x64xf32, #tpu.memory_space<vmem_shared>>
      tpu.wait_indirect_dma semaphore(%arg20 : memref<!tpu.dma_semaphore, #tpu.memory_space<semaphore_mem>>) src(%arg9 : memref<128x64xf32, #tpu.memory_space<vmem>>) dst(%dma_wait3A_226 : memref<10240x64xf32, #tpu.memory_space<vmem_shared>>)
      %dma_wait3A_227 = arith.constant 1 : i32
      %dma_wait3A_228 = arith.constant 0 : i32
      %dma_wait3A_229 = tpu.memref_slice %arg8[%select_n3A_135, %dma_wait3A_227, %dma_wait3A_228] : memref<2x4x128xi32, #tpu.memory_space<vmem>> -> memref<1x1x128xi32, #tpu.memory_space<vmem>>
      %dma_wait3A_230 = tpu.memref_squeeze %dma_wait3A_229 : memref<1x1x128xi32, #tpu.memory_space<vmem>> -> memref<128xi32, #tpu.memory_space<vmem>>
      %dma_wait3A_231 = arith.constant 0 : i32
      %dma_wait3A_232 = arith.constant 0 : i32
      %dma_wait3A_233 = tpu.memref_slice %arg15[%dma_wait3A_231, %dma_wait3A_232] : memref<10240x64xf32, #tpu.memory_space<vmem_shared>> -> memref<10240x64xf32, #tpu.memory_space<vmem_shared>>
      tpu.wait_indirect_dma semaphore(%arg21 : memref<!tpu.dma_semaphore, #tpu.memory_space<semaphore_mem>>) src(%arg10 : memref<128x64xf32, #tpu.memory_space<vmem>>) dst(%dma_wait3A_233 : memref<10240x64xf32, #tpu.memory_space<vmem_shared>>)
      %dma_wait3A_234 = arith.constant 2 : i32
      %dma_wait3A_235 = arith.constant 0 : i32
      %dma_wait3A_236 = tpu.memref_slice %arg8[%select_n3A_135, %dma_wait3A_234, %dma_wait3A_235] : memref<2x4x128xi32, #tpu.memory_space<vmem>> -> memref<1x1x128xi32, #tpu.memory_space<vmem>>
      %dma_wait3A_237 = tpu.memref_squeeze %dma_wait3A_236 : memref<1x1x128xi32, #tpu.memory_space<vmem>> -> memref<128xi32, #tpu.memory_space<vmem>>
      %dma_wait3A_238 = arith.constant 0 : i32
      %dma_wait3A_239 = arith.constant 0 : i32
      %dma_wait3A_240 = tpu.memref_slice %arg15[%dma_wait3A_238, %dma_wait3A_239] : memref<10240x64xf32, #tpu.memory_space<vmem_shared>> -> memref<10240x64xf32, #tpu.memory_space<vmem_shared>>
      tpu.wait_indirect_dma semaphore(%arg22 : memref<!tpu.dma_semaphore, #tpu.memory_space<semaphore_mem>>) src(%arg11 : memref<128x64xf32, #tpu.memory_space<vmem>>) dst(%dma_wait3A_240 : memref<10240x64xf32, #tpu.memory_space<vmem_shared>>)
      %dma_wait3A_241 = arith.constant 3 : i32
      %dma_wait3A_242 = arith.constant 0 : i32
      %dma_wait3A_243 = tpu.memref_slice %arg8[%select_n3A_135, %dma_wait3A_241, %dma_wait3A_242] : memref<2x4x128xi32, #tpu.memory_space<vmem>> -> memref<1x1x128xi32, #tpu.memory_space<vmem>>
      %dma_wait3A_244 = tpu.memref_squeeze %dma_wait3A_243 : memref<1x1x128xi32, #tpu.memory_space<vmem>> -> memref<128xi32, #tpu.memory_space<vmem>>
      %dma_wait3A_245 = arith.constant 0 : i32
      %dma_wait3A_246 = arith.constant 0 : i32
      %dma_wait3A_247 = tpu.memref_slice %arg15[%dma_wait3A_245, %dma_wait3A_246] : memref<10240x64xf32, #tpu.memory_space<vmem_shared>> -> memref<10240x64xf32, #tpu.memory_space<vmem_shared>>
      tpu.wait_indirect_dma semaphore(%arg23 : memref<!tpu.dma_semaphore, #tpu.memory_space<semaphore_mem>>) src(%arg12 : memref<128x64xf32, #tpu.memory_space<vmem>>) dst(%dma_wait3A_247 : memref<10240x64xf32, #tpu.memory_space<vmem_shared>>)
      %add3A_248 = arith.constant 1 : i32
      %add3A_249 = arith.addi %scan3A_124, %add3A_248 : i32
      %lt3A_250 = arith.constant 40 : i32
      %lt3A_251 = arith.cmpi slt, %add3A_249, %lt3A_250 : i32
      %convert_element_type3A_252 = arith.extui %lt3A_251 : i1 to i32
      %cond3A_253 = arith.constant 0 : i32
      %cond3A_254 = arith.cmpi ne, %convert_element_type3A_252, %cond3A_253 : i32
      scf.if %cond3A_254 {
        %dma_start3A_262 = arith.constant 0 : i32
        %dma_start3A_263 = arith.constant 0 : i32
        %dma_start3A_264 = tpu.memref_slice %arg7[%select_n3A_153, %dma_start3A_262, %dma_start3A_263] : memref<2x4x128xi32, #tpu.memory_space<vmem>> -> memref<1x1x128xi32, #tpu.memory_space<vmem>>
        %dma_start3A_265 = tpu.memref_squeeze %dma_start3A_264 : memref<1x1x128xi32, #tpu.memory_space<vmem>> -> memref<128xi32, #tpu.memory_space<vmem>>
        %dma_start3A_266 = arith.constant 0 : i32
        %dma_start3A_267 = arith.constant 0 : i32
        %dma_start3A_268 = tpu.memref_slice %arg14[%dma_start3A_266, %dma_start3A_267] : memref<10240x64xf32, #tpu.memory_space<vmem_shared>> -> memref<10240x64xf32, #tpu.memory_space<vmem_shared>>
        tpu.enqueue_indirect_dma source(%dma_start3A_268 : memref<10240x64xf32, #tpu.memory_space<vmem_shared>>) target(%arg9 : memref<128x64xf32, #tpu.memory_space<vmem>>) offsets(%dma_start3A_265 : memref<128xi32, #tpu.memory_space<vmem>>) semaphore(%arg16 : memref<!tpu.dma_semaphore, #tpu.memory_space<semaphore_mem>>)
        %dma_start3A_269 = arith.constant 1 : i32
        %dma_start3A_270 = arith.constant 0 : i32
        %dma_start3A_271 = tpu.memref_slice %arg7[%select_n3A_153, %dma_start3A_269, %dma_start3A_270] : memref<2x4x128xi32, #tpu.memory_space<vmem>> -> memref<1x1x128xi32, #tpu.memory_space<vmem>>
        %dma_start3A_272 = tpu.memref_squeeze %dma_start3A_271 : memref<1x1x128xi32, #tpu.memory_space<vmem>> -> memref<128xi32, #tpu.memory_space<vmem>>
        %dma_start3A_273 = arith.constant 0 : i32
        %dma_start3A_274 = arith.constant 0 : i32
        %dma_start3A_275 = tpu.memref_slice %arg14[%dma_start3A_273, %dma_start3A_274] : memref<10240x64xf32, #tpu.memory_space<vmem_shared>> -> memref<10240x64xf32, #tpu.memory_space<vmem_shared>>
        tpu.enqueue_indirect_dma source(%dma_start3A_275 : memref<10240x64xf32, #tpu.memory_space<vmem_shared>>) target(%arg10 : memref<128x64xf32, #tpu.memory_space<vmem>>) offsets(%dma_start3A_272 : memref<128xi32, #tpu.memory_space<vmem>>) semaphore(%arg17 : memref<!tpu.dma_semaphore, #tpu.memory_space<semaphore_mem>>)
        %dma_start3A_276 = arith.constant 2 : i32
        %dma_start3A_277 = arith.constant 0 : i32
        %dma_start3A_278 = tpu.memref_slice %arg7[%select_n3A_153, %dma_start3A_276, %dma_start3A_277] : memref<2x4x128xi32, #tpu.memory_space<vmem>> -> memref<1x1x128xi32, #tpu.memory_space<vmem>>
        %dma_start3A_279 = tpu.memref_squeeze %dma_start3A_278 : memref<1x1x128xi32, #tpu.memory_space<vmem>> -> memref<128xi32, #tpu.memory_space<vmem>>
        %dma_start3A_280 = arith.constant 0 : i32
        %dma_start3A_281 = arith.constant 0 : i32
        %dma_start3A_282 = tpu.memref_slice %arg14[%dma_start3A_280, %dma_start3A_281] : memref<10240x64xf32, #tpu.memory_space<vmem_shared>> -> memref<10240x64xf32, #tpu.memory_space<vmem_shared>>
        tpu.enqueue_indirect_dma source(%dma_start3A_282 : memref<10240x64xf32, #tpu.memory_space<vmem_shared>>) target(%arg11 : memref<128x64xf32, #tpu.memory_space<vmem>>) offsets(%dma_start3A_279 : memref<128xi32, #tpu.memory_space<vmem>>) semaphore(%arg18 : memref<!tpu.dma_semaphore, #tpu.memory_space<semaphore_mem>>)
        %dma_start3A_283 = arith.constant 3 : i32
        %dma_start3A_284 = arith.constant 0 : i32
        %dma_start3A_285 = tpu.memref_slice %arg7[%select_n3A_153, %dma_start3A_283, %dma_start3A_284] : memref<2x4x128xi32, #tpu.memory_space<vmem>> -> memref<1x1x128xi32, #tpu.memory_space<vmem>>
        %dma_start3A_286 = tpu.memref_squeeze %dma_start3A_285 : memref<1x1x128xi32, #tpu.memory_space<vmem>> -> memref<128xi32, #tpu.memory_space<vmem>>
        %dma_start3A_287 = arith.constant 0 : i32
        %dma_start3A_288 = arith.constant 0 : i32
        %dma_start3A_289 = tpu.memref_slice %arg14[%dma_start3A_287, %dma_start3A_288] : memref<10240x64xf32, #tpu.memory_space<vmem_shared>> -> memref<10240x64xf32, #tpu.memory_space<vmem_shared>>
        tpu.enqueue_indirect_dma source(%dma_start3A_289 : memref<10240x64xf32, #tpu.memory_space<vmem_shared>>) target(%arg12 : memref<128x64xf32, #tpu.memory_space<vmem>>) offsets(%dma_start3A_286 : memref<128xi32, #tpu.memory_space<vmem>>) semaphore(%arg19 : memref<!tpu.dma_semaphore, #tpu.memory_space<semaphore_mem>>)
      } else {
      }
      %add3A_255 = arith.constant 2 : i32
      %add3A_256 = arith.addi %scan3A_124, %add3A_255 : i32
      %lt3A_257 = arith.constant 40 : i32
      %lt3A_258 = arith.cmpi slt, %add3A_256, %lt3A_257 : i32
      %convert_element_type3A_259 = arith.extui %lt3A_258 : i1 to i32
      %cond3A_260 = arith.constant 0 : i32
      %cond3A_261 = arith.cmpi ne, %convert_element_type3A_259, %cond3A_260 : i32
      scf.if %cond3A_261 {
        %add3A_262 = arith.constant 2 : i32
        %add3A_263 = arith.addi %scan3A_124, %add3A_262 : i32
        %mul3A_264 = arith.constant 4 : i32
        %mul3A_265 = arith.muli %add3A_263, %mul3A_264 : i32
        %dma_start3A_266 = arith.constant 0 : i32
        %dma_start3A_267 = arith.constant 0 : i32
        %dma_start3A_268 = tpu.memref_slice %arg7[%select_n3A_135, %dma_start3A_266, %dma_start3A_267] : memref<2x4x128xi32, #tpu.memory_space<vmem>> -> memref<1x4x128xi32, #tpu.memory_space<vmem>>
        %dma_start3A_269 = tpu.memref_squeeze %dma_start3A_268 : memref<1x4x128xi32, #tpu.memory_space<vmem>> -> memref<4x128xi32, #tpu.memory_space<vmem>>
        %dma_start3A_270 = arith.constant 0 : i32
        %dma_start3A_271 = tpu.memref_slice %arg3[%arg1, %mul3A_265, %dma_start3A_270] : memref<16x160x128xi32, #tpu.memory_space<hbm>> -> memref<1x4x128xi32, #tpu.memory_space<hbm>>
        %dma_start3A_272 = tpu.memref_squeeze %dma_start3A_271 : memref<1x4x128xi32, #tpu.memory_space<hbm>> -> memref<4x128xi32, #tpu.memory_space<hbm>>
        %dma_start3A_273 = arith.constant 0 : i32
        %dma_start3A_274 = arith.constant 0 : i32
        %dma_start3A_275 = tpu.memref_slice %arg7[%select_n3A_135, %dma_start3A_273, %dma_start3A_274] : memref<2x4x128xi32, #tpu.memory_space<vmem>> -> memref<1x4x128xi32, #tpu.memory_space<vmem>>
        %dma_start3A_276 = tpu.memref_squeeze %dma_start3A_275 : memref<1x4x128xi32, #tpu.memory_space<vmem>> -> memref<4x128xi32, #tpu.memory_space<vmem>>
        %dma_start3A_277 = arith.constant 0 : i32
        %dma_start3A_278 = tpu.memref_slice %arg3[%arg1, %mul3A_265, %dma_start3A_277] : memref<16x160x128xi32, #tpu.memory_space<hbm>> -> memref<1x4x128xi32, #tpu.memory_space<hbm>>
        %dma_start3A_279 = tpu.memref_squeeze %dma_start3A_278 : memref<1x4x128xi32, #tpu.memory_space<hbm>> -> memref<4x128xi32, #tpu.memory_space<hbm>>
        tpu.enqueue_dma source(%dma_start3A_279 : memref<4x128xi32, #tpu.memory_space<hbm>>) target(%dma_start3A_276 : memref<4x128xi32, #tpu.memory_space<vmem>>) target_semaphore(%arg24 : memref<!tpu.dma_semaphore, #tpu.memory_space<semaphore_mem>>)
        %dma_start3A_280 = arith.constant 0 : i32
        %dma_start3A_281 = arith.constant 0 : i32
        %dma_start3A_282 = tpu.memref_slice %arg8[%select_n3A_135, %dma_start3A_280, %dma_start3A_281] : memref<2x4x128xi32, #tpu.memory_space<vmem>> -> memref<1x4x128xi32, #tpu.memory_space<vmem>>
        %dma_start3A_283 = tpu.memref_squeeze %dma_start3A_282 : memref<1x4x128xi32, #tpu.memory_space<vmem>> -> memref<4x128xi32, #tpu.memory_space<vmem>>
        %dma_start3A_284 = arith.constant 0 : i32
        %dma_start3A_285 = tpu.memref_slice %arg4[%arg1, %mul3A_265, %dma_start3A_284] : memref<16x160x128xi32, #tpu.memory_space<hbm>> -> memref<1x4x128xi32, #tpu.memory_space<hbm>>
        %dma_start3A_286 = tpu.memref_squeeze %dma_start3A_285 : memref<1x4x128xi32, #tpu.memory_space<hbm>> -> memref<4x128xi32, #tpu.memory_space<hbm>>
        %dma_start3A_287 = arith.constant 0 : i32
        %dma_start3A_288 = arith.constant 0 : i32
        %dma_start3A_289 = tpu.memref_slice %arg8[%select_n3A_135, %dma_start3A_287, %dma_start3A_288] : memref<2x4x128xi32, #tpu.memory_space<vmem>> -> memref<1x4x128xi32, #tpu.memory_space<vmem>>
        %dma_start3A_290 = tpu.memref_squeeze %dma_start3A_289 : memref<1x4x128xi32, #tpu.memory_space<vmem>> -> memref<4x128xi32, #tpu.memory_space<vmem>>
        %dma_start3A_291 = arith.constant 0 : i32
        %dma_start3A_292 = tpu.memref_slice %arg4[%arg1, %mul3A_265, %dma_start3A_291] : memref<16x160x128xi32, #tpu.memory_space<hbm>> -> memref<1x4x128xi32, #tpu.memory_space<hbm>>
        %dma_start3A_293 = tpu.memref_squeeze %dma_start3A_292 : memref<1x4x128xi32, #tpu.memory_space<hbm>> -> memref<4x128xi32, #tpu.memory_space<hbm>>
        tpu.enqueue_dma source(%dma_start3A_293 : memref<4x128xi32, #tpu.memory_space<hbm>>) target(%dma_start3A_290 : memref<4x128xi32, #tpu.memory_space<vmem>>) target_semaphore(%arg24 : memref<!tpu.dma_semaphore, #tpu.memory_space<semaphore_mem>>)
      } else {
      }
    }
    %scan3A_119 = arith.constant 40 : i32
    %mul3A_120 = arith.constant 16 : i32
    %mul3A_121 = arith.muli %arg0, %mul3A_120 : i32
    %add3A_122 = arith.addi %mul3A_121, %arg1 : i32
    "tpu.region"() ({
      %run_scoped3A_124 = tpu.sem_alloc : memref<!tpu.dma_semaphore, #tpu.memory_space<semaphore_mem>>
      %dma_start3A_125 = arith.constant 0 : i32
      %dma_start3A_126 = tpu.memref_slice %arg6[%add3A_122, %dma_start3A_125] : memref<32x10240xf32, #tpu.memory_space<hbm>> -> memref<1x10240xf32, #tpu.memory_space<hbm>>
      %dma_start3A_127 = tpu.memref_squeeze %dma_start3A_126 : memref<1x10240xf32, #tpu.memory_space<hbm>> -> memref<10240xf32, #tpu.memory_space<hbm>>
      %dma_start3A_128 = arith.constant 0 : i32
      %dma_start3A_129 = tpu.memref_slice %arg6[%add3A_122, %dma_start3A_128] : memref<32x10240xf32, #tpu.memory_space<hbm>> -> memref<1x10240xf32, #tpu.memory_space<hbm>>
      %dma_start3A_130 = tpu.memref_squeeze %dma_start3A_129 : memref<1x10240xf32, #tpu.memory_space<hbm>> -> memref<10240xf32, #tpu.memory_space<hbm>>
      tpu.enqueue_dma source(%arg13 : memref<10240xf32, #tpu.memory_space<vmem>>) target(%dma_start3A_130 : memref<10240xf32, #tpu.memory_space<hbm>>) target_semaphore(%run_scoped3A_124 : memref<!tpu.dma_semaphore, #tpu.memory_space<semaphore_mem>>)
      %dma_wait3A = arith.constant 0 : i32
      %dma_wait3A_131 = tpu.memref_slice %arg6[%add3A_122, %dma_wait3A] : memref<32x10240xf32, #tpu.memory_space<hbm>> -> memref<1x10240xf32, #tpu.memory_space<hbm>>
      %dma_wait3A_132 = tpu.memref_squeeze %dma_wait3A_131 : memref<1x10240xf32, #tpu.memory_space<hbm>> -> memref<10240xf32, #tpu.memory_space<hbm>>
      %dma_wait3A_133 = arith.constant 0 : i32
      %dma_wait3A_134 = tpu.memref_slice %arg6[%add3A_122, %dma_wait3A_133] : memref<32x10240xf32, #tpu.memory_space<hbm>> -> memref<1x10240xf32, #tpu.memory_space<hbm>>
      %dma_wait3A_135 = tpu.memref_squeeze %dma_wait3A_134 : memref<1x10240xf32, #tpu.memory_space<hbm>> -> memref<10240xf32, #tpu.memory_space<hbm>>
      tpu.wait_dma2 semaphore(%run_scoped3A_124 : memref<!tpu.dma_semaphore, #tpu.memory_space<semaphore_mem>>) src(%arg13 : memref<10240xf32, #tpu.memory_space<vmem>>) dst(%dma_wait3A_135 : memref<10240xf32, #tpu.memory_space<hbm>>)
      tpu.yield
    }) : () -> ()
    %barrier3A_123 = arith.constant 0 : index
    tpu.barrier barrier_id(%barrier3A_123)
    "tpu.region"() ({
      %run_scoped3A_124 = tpu.sem_alloc : memref<!tpu.dma_semaphore, #tpu.memory_space<semaphore_mem>>
      %dma_start3A_125 = arith.constant 0 : i32
      %dma_start3A_126 = tpu.memref_slice %arg5[%mul3A_14, %arg0, %dma_start3A_125] : memref<10240x2x64xf32, #tpu.memory_space<hbm>> -> memref<640x1x64xf32, #tpu.memory_space<hbm>>
      %dma_start3A_127 = tpu.memref_squeeze %dma_start3A_126 : memref<640x1x64xf32, #tpu.memory_space<hbm>> -> memref<640x64xf32, #tpu.memory_space<hbm>>
      %dma_start3A_128 = arith.constant 0 : i32
      %dma_start3A_129 = tpu.memref_slice %arg15[%mul3A_14, %dma_start3A_128] : memref<10240x64xf32, #tpu.memory_space<vmem_shared>> -> memref<640x64xf32, #tpu.memory_space<vmem_shared>>
      tpu.enqueue_dma source(%dma_start3A_129 : memref<640x64xf32, #tpu.memory_space<vmem_shared>>) target(%dma_start3A_127 : memref<640x64xf32, #tpu.memory_space<hbm>>) target_semaphore(%run_scoped3A_124 : memref<!tpu.dma_semaphore, #tpu.memory_space<semaphore_mem>>)
      %dma_wait3A = arith.constant 0 : i32
      %dma_wait3A_130 = tpu.memref_slice %arg5[%mul3A_14, %arg0, %dma_wait3A] : memref<10240x2x64xf32, #tpu.memory_space<hbm>> -> memref<640x1x64xf32, #tpu.memory_space<hbm>>
      %dma_wait3A_131 = tpu.memref_squeeze %dma_wait3A_130 : memref<640x1x64xf32, #tpu.memory_space<hbm>> -> memref<640x64xf32, #tpu.memory_space<hbm>>
      %dma_wait3A_132 = arith.constant 0 : i32
      %dma_wait3A_133 = tpu.memref_slice %arg15[%mul3A_14, %dma_wait3A_132] : memref<10240x64xf32, #tpu.memory_space<vmem_shared>> -> memref<640x64xf32, #tpu.memory_space<vmem_shared>>
      tpu.wait_dma2 semaphore(%run_scoped3A_124 : memref<!tpu.dma_semaphore, #tpu.memory_space<semaphore_mem>>) src(%dma_wait3A_133 : memref<640x64xf32, #tpu.memory_space<vmem_shared>>) dst(%dma_wait3A_131 : memref<640x64xf32, #tpu.memory_space<hbm>>)
      tpu.yield
    }) : () -> ()
    return
  }
}

module attributes {stable_mosaic.version = 14 : i64} {
  func.func @_tc_body(%arg0: i32, %arg1: memref<1024x128xf32, #tpu.memory_space<vmem>>, %arg2: memref<1024x128xf32, #tpu.memory_space<vmem>>, %arg3: memref<32x1024xf32, #tpu.memory_space<vmem>>, %arg4: memref<256x128xf32, #tpu.memory_space<vmem>>, %arg5: memref<1x128xf32, #tpu.memory_space<vmem>>, %arg6: memref<1024x128xf32, #tpu.memory_space<vmem>>) attributes {dimension_semantics = [#tpu.dimension_semantics<arbitrary>], iteration_bounds = array<i64: 10>, scalar_prefetch = 0 : i64, scratch_operands = 0 : i64, tpu.core_type = #tpu.core_type<tc>, window_params = [{transform_indices = @transform_0, window_bounds = array<i64: 1024, 128>}, {transform_indices = @transform_1, window_bounds = array<i64: 1024, 128>}, {transform_indices = @transform_2, window_bounds = array<i64: 32, 1024>}, {pipeline_mode = #tpu.pipeline_mode<synchronous>, transform_indices = @transform_3, window_bounds = array<i64: 256, 128>}, {pipeline_mode = #tpu.pipeline_mode<synchronous>, transform_indices = @transform_4, window_bounds = array<i64: 1, 128>}, {transform_indices = @transform_5, window_bounds = array<i64: 1024, 128>}]} {
    %get3A = arith.constant 0 : index
    %get3A_0 = arith.constant 0 : index
    %get3A_1 = vector.load %arg3[%get3A, %get3A_0] : memref<32x1024xf32, #tpu.memory_space<vmem>>, vector<32x1024xf32>
    %reduce_sum3A = arith.constant dense<0.000000e+00> : vector<1024xf32>
    %reduce_sum3A_2 = vector.multi_reduction <add>, %get3A_1, %reduce_sum3A [0] : vector<32x1024xf32> to vector<1024xf32>
    %max3A = arith.constant 1.000000e+00 : f32
    %max3A_3 = vector.broadcast %max3A : f32 to vector<1024xf32>
    %max3A_4 = arith.maximumf %reduce_sum3A_2, %max3A_3 : vector<1024xf32>
    %div3A = arith.constant 1.000000e+00 : f32
    %div3A_5 = vector.broadcast %div3A : f32 to vector<1024xf32>
    %div3A_6 = arith.divf %div3A_5, %max3A_4 : vector<1024xf32>
    %get3A_7 = arith.constant 0 : index
    %get3A_8 = arith.constant 0 : index
    %get3A_9 = vector.load %arg2[%get3A_7, %get3A_8] : memref<1024x128xf32, #tpu.memory_space<vmem>>, vector<1024x128xf32>
    %broadcast_in_dim3A = vector.shape_cast %div3A_6 : vector<1024xf32> to vector<1024x1xf32>
    %mul3A = vector.broadcast %broadcast_in_dim3A : vector<1024x1xf32> to vector<1024x128xf32>
    %mul3A_10 = arith.mulf %get3A_9, %mul3A : vector<1024x128xf32>
    %get3A_11 = arith.constant 0 : index
    %get3A_12 = arith.constant 0 : index
    %get3A_13 = vector.load %arg1[%get3A_11, %get3A_12] : memref<1024x128xf32, #tpu.memory_space<vmem>>, vector<1024x128xf32>
    %get3A_14 = arith.constant 0 : index
    %get3A_15 = arith.constant 0 : index
    %get3A_16 = vector.load %arg4[%get3A_14, %get3A_15] : memref<256x128xf32, #tpu.memory_space<vmem>>, vector<128x128xf32>
    %dot_general3A = arith.constant dense<0.000000e+00> : vector<1024x128xf32>
    %dot_general3A_17 = tpu.matmul %get3A_13, %get3A_16, %dot_general3A {dimension_numbers = #tpu.dot_dimension_numbers<[1], [0], [0], [1], [0, 0, 1, 1], [], []>, transpose_lhs_hint = false} : vector<1024x128xf32>, vector<128x128xf32>, vector<1024x128xf32> -> vector<1024x128xf32>
    %get3A_18 = arith.constant 128 : index
    %get3A_19 = arith.constant 0 : index
    %get3A_20 = vector.load %arg4[%get3A_18, %get3A_19] : memref<256x128xf32, #tpu.memory_space<vmem>>, vector<128x128xf32>
    %dot_general3A_21 = arith.constant dense<0.000000e+00> : vector<1024x128xf32>
    %dot_general3A_22 = tpu.matmul %mul3A_10, %get3A_20, %dot_general3A_21 {dimension_numbers = #tpu.dot_dimension_numbers<[1], [0], [0], [1], [0, 0, 1, 1], [], []>, transpose_lhs_hint = false} : vector<1024x128xf32>, vector<128x128xf32>, vector<1024x128xf32> -> vector<1024x128xf32>
    %add3A = arith.addf %dot_general3A_17, %dot_general3A_22 : vector<1024x128xf32>
    %get3A_23 = arith.constant 0 : index
    %get3A_24 = arith.constant 0 : index
    %get3A_25 = vector.load %arg5[%get3A_23, %get3A_24] : memref<1x128xf32, #tpu.memory_space<vmem>>, vector<1x128xf32>
    %add3A_26 = vector.broadcast %get3A_25 : vector<1x128xf32> to vector<1024x128xf32>
    %add3A_27 = arith.addf %add3A, %add3A_26 : vector<1024x128xf32>
    %max3A_28 = arith.constant 0.000000e+00 : f32
    %max3A_29 = vector.broadcast %max3A_28 : f32 to vector<1024x128xf32>
    %max3A_30 = arith.maximumf %add3A_27, %max3A_29 : vector<1024x128xf32>
    %swap3A = arith.constant 0 : index
    %swap3A_31 = arith.constant 0 : index
    %swap3A_32 = vector.load %arg6[%swap3A, %swap3A_31] : memref<1024x128xf32, #tpu.memory_space<vmem>>, vector<1024x128xf32>
    tpu.vector_store %arg6[%swap3A, %swap3A_31], %max3A_30 {strides = array<i32>} : memref<1024x128xf32, #tpu.memory_space<vmem>>, vector<1024x128xf32>,
    return
  }
  func.func @transform_0(%arg0: i32) -> (i32, i32) {
    %c0_i32 = arith.constant 0 : i32
    %c0_i32_0 = arith.constant 0 : i32
    return %arg0, %c0_i32 : i32, i32
  }
  func.func @transform_1(%arg0: i32) -> (i32, i32) {
    %c0_i32 = arith.constant 0 : i32
    %c0_i32_0 = arith.constant 0 : i32
    return %arg0, %c0_i32 : i32, i32
  }
  func.func @transform_2(%arg0: i32) -> (i32, i32) {
    %c0_i32 = arith.constant 0 : i32
    %c0_i32_0 = arith.constant 0 : i32
    return %c0_i32, %arg0 : i32, i32
  }
  func.func @transform_3(%arg0: i32) -> (i32, i32) {
    %c0_i32 = arith.constant 0 : i32
    %c0_i32_0 = arith.constant 0 : i32
    %c0_i32_1 = arith.constant 0 : i32
    return %c0_i32, %c0_i32_0 : i32, i32
  }
  func.func @transform_4(%arg0: i32) -> (i32, i32) {
    %c0_i32 = arith.constant 0 : i32
    %c0_i32_0 = arith.constant 0 : i32
    %c0_i32_1 = arith.constant 0 : i32
    return %c0_i32, %c0_i32_0 : i32, i32
  }
  func.func @transform_5(%arg0: i32) -> (i32, i32) {
    %c0_i32 = arith.constant 0 : i32
    %c0_i32_0 = arith.constant 0 : i32
    return %arg0, %c0_i32 : i32, i32
  }
}

</mosaic_0001>

<sc_bundles>
// kernel: kernel.4.cloned.1.call-start
scs
__scs_entry_jumppad:
0x0: {  	(pc) =	sbr.rel $0x88, $3  }
0x1: {  	(tag) =	ssettag $0x0;
	lr =	simm.s32 $0x1  }
0x2: {  	[smem:$0x3F9D] =	sst lr;
	_ =	strace $0xD0000000  }
0x3: {  	_ = 	snop  }
0x4: {  	_ = 	snop  }
0x5: {  	_ = 	snop  }
0x6: {  	_ = 	snop  }
0x7: {  	_ = 	snop  }
__scs_overlays_trampoline_lowered:
0x8: {  	[smem:$0x3FAC] =	sst s0  }
0x9: {  	[smem:$0x3FAD] =	sst s1  }
0xa: {  	[smem:$0x3FAE] =	sst s2  }
0xb: {  	[smem:$0x3FAF] =	sst s3  }
0xc: {  	[smem:$0x3FB0] =	sst s4  }
0xd: {  	[smem:$0x3FB1] =	sst s5  }
0xe: {  	[smem:$0x3FB2] =	sst s6  }
0xf: {  	[smem:$0x3FB3] =	sst s7  }
0x10: {  	[smem:$0x3FB4] =	sst s8  }
0x11: {  	[smem:$0x3FB5] =	sst s9;
	s0 =	simm.s32 @!p0 $0x0  }
0x12: {  	s1 =	sld [smem:$0x3F9B];
	s0 =	simm.s32 @p0 $0x1  }
0x13: {  	[smem:$0x3FB6] =	sst s0;
	s0 =	simm.s32 @!p1 $0x0  }
0x14: {  	s2 =	sld [smem:$0x3F9A];
	s0 =	simm.s32 @p1 $0x1  }
0x15: {  	[smem:$0x3FB7] =	sst s0;
	s0 =	simm.s32 @!p2 $0x0  }
0x16: {  	s3 =	sld [smem:$0x3FDB];
	s0 =	simm.s32 @p2 $0x1  }
0x17: {  	s4 =	simm.s32 $0x1BF5;
	[smem:$0x3FB9] =	sst s0  }
0x18: {  	s0 =	sld [smem:$0x3F9C];
	_ =	swait.ge [sflag:s4], $0x0  }
0x19: {  	s7 =	sld [smem:$0x3F9D]  }
0x1a: {  	s8 =	sadd.s32 $0xFFFFE003, lr  }
0x1b: {  	s9 =	sadd.s32 $0xFFFFFEF7, lr;
	s5 =	simm.s32 $0xFFFFFFFF;
	p2 =	slt.u32 s8, $0xFFFFF086  }
0x1c: {  	p1 =	slt.u32 s9, $0xF7A;
	s5 =	simm.s32 @!p2 $0x0  }
0x1d: {  	s5 =	simm.s32 @p1 $0x1;
	p0 =	seq.s32 s7, s2  }
0x1e: {  	s7 =	smul.u32 @!p0 $0xF7A, s2;
	p2 =	seq.s32 @!p0 s5, $0x0  }
0x1f: {  	s9 =	smul.u32 $0xF7A, s1;
	s8 =	simm.s32 @!p0 $0x1BF5;
	p2 =	por !p2, p0  }
0x20: {  	[sflag:s8] =	ssyncset.s32 @!p0 $0xFFFFF086;
	s6 =	sadd.s32 @!p0 s3, s7;
	s7 =	simm.s32 @!p0 $0x108  }
0x21: {  	s3 =	sadd.s32 s3, s9;
	s6 =	sadd.s32 @!p0 $0x88, s6;
	s7 =	simm.s32 @p2 $0x1082  }
0x22: {  	[simem:s7], [sflag:s8] =	dma.local @!p0 [hbm:s6], $0xF7A  }
0x23: {  	s9 =	sor.u32 $0xD0000000, s2;
	s6 =	simm.s32 $0x108;
	_ =	swait.ge @!p0 [sflag:s8], $0x0  }
0x24: {  	s3 =	sadd.s32 $0x88, s3;
	s6 =	simm.s32 @!p1 $0x1082;
	[sflag:s4] =	ssyncset.s32 $0xFFFFF086  }
0x25: {  	[simem:s6], [sflag:s4] =	dma.local [hbm:s3], $0xF7A  }
0x26: {  	[smem:$0x3F9D] =	sst s1;
	(tag) =	ssettag s2;
	_ =	strace s9  }
0x27: {  	s1 =	sld [smem:$0x3FAD]  }
0x28: {  	s2 =	sld [smem:$0x3FAE]  }
0x29: {  	s4 =	sld [smem:$0x3FB0]  }
0x2a: {  	p0 =	seq.s32 s5, $0x0;
	s5 =	sld [smem:$0x3FB1]  }
0x2b: {  	s6 =	sld [smem:$0x3FB2]  }
0x2c: {  	s7 =	sld [smem:$0x3FB3]  }
0x2d: {  	s3 =	simm.s32 $0x108;
	s8 =	sld [smem:$0x3FB4]  }
0x2e: {  	s3 =	simm.s32 @!p0 $0x1082;
	s9 =	sld [smem:$0x3FB5]  }
0x2f: {  	lr =	sadd.s32 s0, s3;
	s0 =	sld [smem:$0x3FAC]  }
0x30: {  	s3 =	sld [smem:$0x3FAF]  }
0x31: {  	[smem:$0x3FB8] =	sst s10  }
0x32: {  	s10 =	sld [smem:$0x3FB6];
	_ =	sdelay $0x3  }
0x33: {  	p0 =	seq.s32 s10, $0x1;
	s10 =	sld [smem:$0x3FB8];
	_ =	sdelay $0x3  }
0x34: {  	[smem:$0x3FB8] =	sst s10  }
0x35: {  	s10 =	sld [smem:$0x3FB7];
	_ =	sdelay $0x3  }
0x36: {  	p1 =	seq.s32 s10, $0x1;
	s10 =	sld [smem:$0x3FB8];
	_ =	sdelay $0x3  }
0x37: {  	[smem:$0x3FB8] =	sst s10  }
0x38: {  	s10 =	sld [smem:$0x3FB9]  }
0x39: {  	_ = 	snop;
	(pc) =	sbr.ind lr, $3  }
0x3a: {  	_ = 	snop  }
0x3b: {  	_ = 	snop  }
0x3c: {  	p2 =	seq.s32 s10, $0x1;
	s10 =	sld [smem:$0x3FB8]  }
0x3d: {  	_ =	shalt  }
0x3e: {  	_ =	shalt  }
0x3f: {  	_ =	shalt  }
0x40: {  	_ =	shalt  }
0x41: {  	_ =	shalt  }
0x42: {  	_ =	shalt  }
0x43: {  	_ =	shalt  }
0x44: {  	_ =	shalt  }
0x45: {  	_ =	shalt  }
0x46: {  	_ =	shalt  }
0x47: {  	_ =	shalt  }
0x48: {  	_ =	shalt  }
0x49: {  	_ =	shalt  }
0x4a: {  	_ =	shalt  }
0x4b: {  	_ =	shalt  }
0x4c: {  	_ =	shalt  }
0x4d: {  	_ =	shalt  }
0x4e: {  	_ =	shalt  }
0x4f: {  	_ =	shalt  }
0x50: {  	_ =	shalt  }
0x51: {  	_ =	shalt  }
0x52: {  	_ =	shalt  }
0x53: {  	_ =	shalt  }
0x54: {  	_ =	shalt  }
0x55: {  	_ =	shalt  }
0x56: {  	_ =	shalt  }
0x57: {  	_ =	shalt  }
0x58: {  	_ =	shalt  }
0x59: {  	_ =	shalt  }
0x5a: {  	_ =	shalt  }
0x5b: {  	_ =	shalt  }
0x5c: {  	_ =	shalt  }
0x5d: {  	_ =	shalt  }
0x5e: {  	_ =	shalt  }
0x5f: {  	_ =	shalt  }
0x60: {  	_ =	shalt  }
0x61: {  	_ =	shalt  }
0x62: {  	_ =	shalt  }
0x63: {  	_ =	shalt  }
0x64: {  	_ =	shalt  }
0x65: {  	_ =	shalt  }
0x66: {  	_ =	shalt  }
0x67: {  	_ =	shalt  }
0x68: {  	_ =	shalt  }
0x69: {  	_ =	shalt  }
0x6a: {  	_ =	shalt  }
0x6b: {  	_ =	shalt  }
0x6c: {  	_ =	shalt  }
0x6d: {  	_ =	shalt  }
0x6e: {  	_ =	shalt  }
0x6f: {  	_ =	shalt  }
0x70: {  	_ =	shalt  }
0x71: {  	_ =	shalt  }
0x72: {  	_ =	shalt  }
0x73: {  	_ =	shalt  }
0x74: {  	_ =	shalt  }
0x75: {  	_ =	shalt  }
0x76: {  	_ =	shalt  }
0x77: {  	_ =	shalt  }
0x78: {  	_ =	shalt  }
0x79: {  	_ =	shalt  }
0x7a: {  	_ =	shalt  }
0x7b: {  	_ =	shalt  }
0x7c: {  	_ =	shalt  }
0x7d: {  	_ =	shalt  }
0x7e: {  	_ =	shalt  }
0x7f: {  	_ =	shalt  }
0x80: {  	_ =	shalt  }
0x81: {  	_ =	shalt  }
0x82: {  	_ =	shalt  }
0x83: {  	_ =	shalt  }
0x84: {  	_ =	shalt  }
0x85: {  	_ =	shalt  }
0x86: {  	_ =	shalt  }
0x87: {  	_ =	shalt  }
.Lfunc_end0:
.L_simem_size_0:
called_computation_lowered:
.L_overlay_start_0:
0x88: {  	s2 =	sld [smem:$0x3FD9]  }
0x89: {  	s3 =	sld [smem:$0x3FFE];
	_ =	sdelay $0x1  }
0x8a: {  	s1 =	srdreg.scid  }
0x8b: {  	s0 =	sand.u32 $0x1, s1  }
0x8c: {  	s17 =	sshll.u32 s0, $0xA;
	s2 =	sadd.s32 s3, s2  }
0x8d: {  	s2 =	sadd.s32 s2, s17  }
0x8e: {  	[smem:$0x3FC4] =	sst s2  }
0x8f: {  	_ = 	snop  }
0x90: {  	s2 =	sld [smem:$0x3FC9]  }
0x91: {  	s18 =	sld [smem:$0x3FD0];
	(tm) =	ssettm $0x1  }
0x92: {  	s4 =	sld [smem:$0x3FFB];
	_ =	sdelay $0x3  }
0x93: {  	_ =	strace s4  }
0x94: {  	s4 =	sld [smem:$0x3FFC];
	_ =	sdelay $0x3  }
0x95: {  	_ =	strace s4  }
0x96: {  	s4 =	sld [smem:$0x3FFD];
	_ =	sdelay $0x3  }
0x97: {  	_ =	strace s4  }
0x98: {  	_ =	strace $0x8FFFFFFF  }
0x99: {  	s19 =	sld [smem:$0x3FDB];
	_ =	sdelay $0x1  }
0x9a: {  	s5 =	simm.s32 $_scs_section_size  }
0x9b: {  	s6 =	simm.s32 $_size__tile_overlayer_lowered;
	s7 =	simm.s32 $_tile_overlayer_lowered  }
0x9c: {  	s22 =	simm.s32 $0x1BFF;
	s21 =	sshll.u32 s7, $0x1;
	s4 =	sadd.s32 s5, s19  }
0x9d: {  	s8 =	simm.s32 $0x0;
	s20 =	sshll.u32 s6, $0x1;
	s6 =	sadd.s32 s21, s4  }
0x9e: {  	[timem:s8], [sflag:s22] =	dma.local [hbm:s6], s20  }
0x9f: {  	_ =	swait.ge [sflag:s22], s20  }
0xa0: {  	s5 =	ssub.s32 $0x0, s20;
	[sflag:s22] =	ssyncset.done $0x0  }
0xa1: {  	[sflag:s22] =	ssyncadd.s32 s5;
	_ =	sdelay $0x1  }
0xa2: {  	s23 =	simm.s32 $0x1B8B  }
0xa3: {  	_ =	swait.ge [sflag:s23], $0x1  }
0xa4: {  	[sflag:s23] =	ssyncset.done $0x0  }
0xa5: {  	s25 =	simm.s32 $0x1B8E;
	s24 =	sld [smem:$0x3FFE];
	[sflag:s23] =	ssyncadd.s32 $0xFFFFFFFF  }
0xa6: {  	s26 =	simm.s32 $execute0_lowered;
	[smem:$0x3FD2] =	sst s25  }
0xa7: {  	s6 =	sshll.u32 s26, $0x1;
	_ =	strace $0x80000046;
	[dreg:$0x1] =	wrdreg $0xFFFFFFFF  }
0xa8: {  	s28 =	simm.s32 $_size_execute0_lowered;
	s4 =	sadd.s32 s4, s6;
	[dreg:$0x0] =	wrdreg $0x0  }
0xa9: {  	s6 =	sshll.u32 s28, $0x1;
	[dreg:$0x2] =	wrdreg s4  }
0xaa: {  	[dreg:$0x3] =	wrdreg s6  }
0xab: {  	[dreg:$0x4] =	wrdreg $0xC0  }
0xac: {  	_ =	task [dreg:s8], $0x5FFFF  }
0xad: {  	[dreg:$0x1] =	wrdreg $0xFFFFFFFF  }
0xae: {  	[dreg:$0x0] =	wrdreg $0x60  }
0xaf: {  	[dreg:$0x2] =	wrdreg s2  }
0xb0: {  	[dreg:$0x3] =	wrdreg s18  }
0xb1: {  	[dreg:$0x4] =	wrdreg s24  }
0xb2: {  	[dreg:$0x5] =	wrdreg $0x150000  }
0xb3: {  	[dreg:$0x6] =	wrdreg $0xB0000  }
0xb4: {  	[dreg:$0x7] =	wrdreg $0x9  }
0xb5: {  	_ =	task.clear_ibuf [dreg:s8], $0x8FFFF;
	_ =	strace $0x90000046  }
0xb6: {  	s29 =	simm.s32 $0x9;
	_ =	strace $0x80000048  }
0xb7: {  	_ =	swait.ge [sflag:s29], $0x1  }
0xb8: {  	[sflag:s29] =	ssyncadd.s32 $0xFFFFFFFF  }
0xb9: {  	_ =	strace $0x90000048  }
0xba: {  	_ =	sfence  }
0xbb: {  	s30 =	sld [smem:$0x0];
	_ =	sdelay $0x2  }
0xbc: {  	s31 =	sshll.u32 s1, $0xD;
	s1 =	sshrl.u32 s1, $0x2  }
0xbd: {  	s3 =	sand.u32 $0x4000, s31;
	s1 =	sadd.s32 s1, s30  }
0xbe: {  	s0 =	sor.u32 s3, s0;
	s1 =	sshll.u32 s1, $0x11  }
0xbf: {  	s0 =	sor.u32 s1, s0  }
0xc0: {  	s0 =	sadd.s32 $0x8F2B, s0  }
0xc1: {  	[sflag:s0] =	ssyncadd.remote.s32 $0x1  }
0xc2: {  	_ =	sfence.sel $0xFFFF  }
0xc3: {  	[dreg:$0x0] =	wrdreg $0xFFFFFFFF;
	(pc) =	sbr.abs _section_cstart, $3  }
0xc4: {  	[dreg:$0x1] =	wrdreg $0xFFFFFFFF  }
0xc5: {  	_ =	task.clear_ibuf [dreg:s8], $0x2FFFF;
	_ =	strace $0x9FFFFFFF  }
0xc6: {  	(tm) =	ssettm $0x7FFFFFFF  }
0xc7: {  	_ =	shalt  }
tec
execute0_lowered:
.L_overlay_start_1:
0x0: {  	(tag) =	ssettag $0x1  }
0x1: {  	s0 =	rddreg [dreg:$0x0]  }
0x2: {  	s1 =	rddreg [dreg:$0x1]  }
0x3: {  	s4 =	rddreg [dreg:$0x2]  }
0x4: {  	s2 =	rddreg [dreg:$0x3]  }
0x5: {  	s3 =	rddreg [dreg:$0x4]  }
0x6: {  	s5 =	srdreg.scid;
	s20 =	stileid.u32  }
0x7: {  	s7 =	simm.s32 $0x0;
	s6 =	sand.u32 $0x1, s5;
	s28 =	smul.u32 $0x14000, s20  }
0x8: {  	[smem:$0x7FF] =	sst s7;
	s7 =	sadd.s32 $0xC00, s4;
	s11 =	smul.u32 $0x280, s20  }
0x9: {  	s13 =	smul.u32 $0xA000, s20;
	p0 =	seq.s32 s20, $0xF;
	s29 =	sshll.u32 s6, $0x4  }
0xa: {  	_ =	strace $0x80000047;
	s8 =	sshll.u32 s6, $0x6;
	s10 =	ssub.s32 $0x2, s6  }
0xb: {  	s9 =	sor.u32 s20, s29;
	s5 =	sor.u32 s8, s28;
	s30 =	sshrl.u32 s10, $0x1  }
0xc: {  	s14 =	sadd.s32 $0x80, s11;
	s15 =	sadd.s32 $0x100, s11;
	s25 =	sadd.s32 s13, s2  }
0xd: {  	s22 =	sadd.s32 $0x180, s11;
	s11 =	sadd.s32 $0x200, s11;
	s13 =	sadd.s32 s13, s3  }
0xe: {  	s9 =	smul.u32 $0x500, s9;
	s5 =	sshrl.u32 s5, $0x3;
	s31 =	sshll.u32 s14, $0x6  }
0xf: {  	s16 =	sshll.u32 s15, $0x6;
	s14 =	sshll.u32 s14, $0x7;
	s18 =	sshll.u32 s22, $0x6  }
0x10: {  	s19 =	sshll.u32 s11, $0x6;
	s24 =	sshll.u32 s15, $0x7;
	s26 =	sshll.u32 s22, $0x7  }
0x11: {  	s11 =	sshll.u32 s11, $0x7;
	[dreg:$0x6] =	wrdreg s25;
	s12 =	sadd.s32 s5, s4  }
0x12: {  	s17 =	sadd.s32 s31, s2;
	s21 =	sadd.s32 s16, s2;
	s14 =	sor.u32 s8, s14  }
0x13: {  	s5 =	sadd.s32 s0, s5;
	s15 =	sor.u32 s8, s26;
	[dreg:$0x7] =	wrdreg s17  }
0x14: {  	s4 =	sadd.s32 s9, s4;
	s9 =	ssub.s32 s10, s30;
	[dreg:$0x8] =	wrdreg s21  }
0x15: {  	[dreg:$0x9] =	wrdreg s5;
	s23 =	sshrl.u32 s14, $0x3;
	s10 =	sadd.s32 s31, s3  }
0x16: {  	s14 =	sadd.s32 s16, s3;
	s28 =	sshrl.u32 s15, $0x3;
	s30 =	sshll.u32 s6, $0x3  }
0x17: {  	s31 =	smul.u32 $0x5000, s20;
	s15 =	sadd.s32 s18, s2;
	s16 =	sadd.s32 s18, s3  }
0x18: {  	s17 =	sadd.s32 s19, s2;
	s26 =	sadd.s32 $0x14C00, s12;
	[dreg:$0xe] =	wrdreg s15  }
0x19: {  	s12 =	simm.s32 $0x80;
	s20 =	simm.s32 $0x8800;
	[dreg:$0xf] =	wrdreg s16  }
0x1a: {  	s5 =	sadd.s32 s0, s23;
	[dreg:$0x10] =	wrdreg s17;
	s23 =	sadd.s32 $0xAC00, s4  }
0x1b: {  	[dreg:$0x17] =	wrdreg s26;
	s4 =	simm.s32 $0xA;
	s15 =	simm.s32 $0x6800  }
0x1c: {  	s16 =	simm.s32 $0x2;
	[dreg:$0xa] =	wrdreg s5;
	s5 =	sor.u32 s8, s24  }
0x1d: {  	s8 =	sor.u32 s8, s11;
	s18 =	sshrl.u32 s31, $0x3;
	s24 =	sor.u32 $0x400, s31  }
0x1e: {  	[dreg:$0x16] =	wrdreg s23;
	s31 =	sshrl.u32 s14, $0x3;
	s11 =	simm.s32 $0x10  }
0x1f: {  	s14 =	simm.s32 $0x4800;
	s23 =	simm.s32 $0x7;
	s29 =	sshrl.u32 s8, $0x3  }
0x20: {  	s8 =	sadd.s32 s19, s3;
	s19 =	sadd.s32 s1, s18;
	[dreg:$0x1b] =	wrdreg s31  }
0x21: {  	s5 =	sshrl.u32 s5, $0x3;
	s21 =	sadd.s32 s7, s18;
	[dreg:$0x12] =	wrdreg s19  }
0x22: {  	s5 =	sadd.s32 s0, s5;
	[dreg:$0x13] =	wrdreg s21;
	s19 =	simm.s32 $0x4  }
0x23: {  	s21 =	simm.s32 $0x5;
	[dreg:$0xb] =	wrdreg s5;
	s5 =	sadd.s32 s0, s28  }
0x24: {  	s28 =	smax.u32 s9, $0x1;
	s9 =	simm.s32 $0x1;
	[dreg:$0xc] =	wrdreg s5  }
0x25: {  	s5 =	sadd.s32 s0, s29;
	s0 =	sadd.s32 s30, s0;
	[dreg:$0x18] =	wrdreg s28  }
0x26: {  	s29 =	sshrl.u32 s13, $0x3;
	s30 =	sshrl.u32 s10, $0x3;
	[dreg:$0xd] =	wrdreg s5  }
0x27: {  	s10 =	simm.s32 $0x8;
	s0 =	sadd.s32 $0x27000, s0;
	[dreg:$0x19] =	wrdreg s29  }
.Ltmp0:
0x28: {  	[dreg:$0x11] =	wrdreg s0;
	s0 =	sor.u32 $0x40, s18;
	(pc) =	sbr.rel .LBB2_1-.Ltmp0, $4  }
0x29: {  	s13 =	simm.s32 $0x2800;
	[dreg:$0x1a] =	wrdreg s30;
	s22 =	sadd.s32 s1, s0  }
0x2a: {  	s5 =	simm.s32 $0x800;
	s0 =	sadd.s32 s7, s0;
	[dreg:$0x14] =	wrdreg s22  }
0x2b: {  	s18 =	simm.s32 $0x3;
	[dreg:$0x15] =	wrdreg s0;
	s0 =	sshrl.u32 @!p0 s8, $0x3  }
0x2c: {  	v0 =	vimm.f32 $0.0e+00;
	v1 =	vimm.f32 $1.000000000e+00;
	s22 =	simm.s32 $0x6;
	s8 =	simm.s32 $0x0;
	[dreg:$0x1c] =	wrdreg s0  }
.LBB2_11:
0x2d: {  	s0 =	simm.s32 $0x0;
	s8 =	rddreg [dreg:$0x16]  }
0x2e: {  	[hbm4b:s8+s0] =	stream.linear.scatter [tilespmem:s20], [sflag:$0xA], $0x2800, $0x38;
	[tilespmem:$0x1F000] =	vst v63  }
0x2f: {  	_ =	swait.ge [sflag:s4], $0x2800  }
0x30: {  	[sflag:s4] =	ssyncset.done $0x0  }
0x31: {  	[sflag:s4] =	ssyncadd.s32 $0xFFFFD800  }
0x32: {  	[bflag:$0x0] =	sbarrier.arrive $0xFFFF  }
0x33: {  	s25 =	rddreg [dreg:$0x6]  }
0x34: {  	s11 =	simm.s32 $0x10;
	s29 =	rddreg [dreg:$0x17];
	s28 =	sshrl.u32 s25, $0x3  }
0x35: {  	[hbm:s29@s11], [sflag:s26] =	dma.strided [spmem:s28@s10], $0x1400, s9, $0x8   }
0x36: {  	_ =	swait.ge [sflag:s4], $0x1400  }
0x37: {  	s30 =	rddreg [dreg:$0x1d]  }
0x38: {  	s31 =	rddreg [dreg:$0x18];
	s8 =	sadd.s32 $0x1, s30  }
0x39: {  	p1 =	sne.s32 s8, s31  }
.Ltmp1:
0x3a: {  	_ = 	snop;
	(pc) =	sbr.rel @!p1 .LBB2_12-.Ltmp1, $3  }
0x3b: {  	_ =	sdelay $0x1  }
0x3c: {  	[sflag:s4] =	ssyncset.done $0x0  }
0x3d: {  	[sflag:s4] =	ssyncadd.s32 $0xFFFFEC00  }
.LBB2_1:
0x3e: {  	[dreg:$0x1d] =	wrdreg s8;
	s0 =	simm.s32 $0x0  }
.LBB2_2:
0x3f: {  	p1 =	sne.s32 s0, $0x7F00  }
.Ltmp2:
0x40: {  	s8 =	sshra.s32 s0, $0x2;
	(pc) =	sbr.rel @p1 .LBB2_2-.Ltmp2, $4  }
0x41: {  	[tilespmem:s8+$0x800] =	vst v0  }
0x42: {  	[tilespmem:s8+$0x810] =	vst v0  }
0x43: {  	[tilespmem:s8+$0x820] =	vst v0  }
0x44: {  	s0 =	sadd.s32 $0x100, s0;
	[tilespmem:s8+$0x830] =	vst v0  }
0x45: {  	s0 =	simm.s32 $0x40;
	s8 =	simm.s32 $0x0  }
.LBB2_4:
0x46: {  	p1 =	sne.s32 s0, $0x9FC0;
	[tilespmem:s8+$0x8800] =	vst v0;
	s8 =	smov.u32 s0;
	s0 =	sadd.s32 $0x40, s0  }
.Ltmp3:
0x47: {  	(pc) =	sbr.rel @p1 .LBB2_4-.Ltmp3, $2  }
0x48: {  	_ =	sdelay $0x2  }
0x49: {  	s8 =	sshra.s32 s8, $0x2  }
0x4a: {  	[tilespmem:s8+$0x8800] =	vst v0  }
0x4b: {  	[spmem:s25] =	stream.linear.scatter [tilespmem:s5], [sflag:$0xA], $0x2000, $0x38;
	[tilespmem:$0x1F000] =	vst v63  }
0x4c: {  	_ =	swait.ge [sflag:s4], $0x2000  }
0x4d: {  	[sflag:s4] =	ssyncset.done $0x0  }
0x4e: {  	s0 =	rddreg [dreg:$0x7];
	[sflag:s4] =	ssyncadd.s32 $0xFFFFE000  }
0x4f: {  	[spmem:s0] =	stream.linear.scatter [tilespmem:s5], [sflag:$0xA], $0x2000, $0x38;
	[tilespmem:$0x1F000] =	vst v63  }
0x50: {  	_ =	swait.ge [sflag:s4], $0x2000  }
0x51: {  	[sflag:s4] =	ssyncset.done $0x0  }
0x52: {  	s26 =	rddreg [dreg:$0x8];
	[sflag:s4] =	ssyncadd.s32 $0xFFFFE000  }
0x53: {  	[spmem:s26] =	stream.linear.scatter [tilespmem:s5], [sflag:$0xA], $0x2000, $0x38;
	[tilespmem:$0x1F000] =	vst v63  }
0x54: {  	_ =	swait.ge [sflag:s4], $0x2000  }
0x55: {  	[sflag:s4] =	ssyncset.done $0x0  }
0x56: {  	s30 =	rddreg [dreg:$0xe];
	[sflag:s4] =	ssyncadd.s32 $0xFFFFE000  }
0x57: {  	[spmem:s30] =	stream.linear.scatter [tilespmem:s5], [sflag:$0xA], $0x2000, $0x38;
	[tilespmem:$0x1F000] =	vst v63  }
0x58: {  	_ =	swait.ge [sflag:s4], $0x2000  }
0x59: {  	[sflag:s4] =	ssyncset.done $0x0  }
0x5a: {  	s31 =	rddreg [dreg:$0x10];
	[sflag:s4] =	ssyncadd.s32 $0xFFFFE000  }
0x5b: {  	[spmem:s31] =	stream.linear.scatter [tilespmem:s5], [sflag:$0xA], $0x2000, $0x38;
	[tilespmem:$0x1F000] =	vst v63  }
0x5c: {  	s8 =	stileid.u32;
	_ =	swait.ge [sflag:s4], $0x2000  }
0x5d: {  	s0 =	sshll.u32 s8, $0x6;
	[sflag:s4] =	ssyncset.done $0x0;
	s17 =	rddreg [dreg:$0x9]  }
0x5e: {  	s26 =	sor.u32 $0x1C0A, s0;
	s25 =	rddreg [dreg:$0x19];
	[sflag:s4] =	ssyncadd.s32 $0xFFFFE000  }
0x5f: {  	[spmem:s25@s10], [sflag:s26] =	dma.strided [hbm:s17@s11], $0x400, s9, $0x8   }
0x60: {  	_ =	swait.ge [sflag:s4], $0x400  }
0x61: {  	[sflag:s4] =	ssyncset.done $0x0;
	s30 =	rddreg [dreg:$0xa]  }
0x62: {  	s31 =	rddreg [dreg:$0x1a];
	[sflag:s4] =	ssyncadd.s32 $0xFFFFFC00  }
0x63: {  	[spmem:s31@s10], [sflag:s26] =	dma.strided [hbm:s30@s11], $0x400, s9, $0x8   }
0x64: {  	_ =	swait.ge [sflag:s4], $0x400  }
0x65: {  	[sflag:s4] =	ssyncset.done $0x0;
	s8 =	rddreg [dreg:$0xb]  }
0x66: {  	s17 =	rddreg [dreg:$0x1b];
	[sflag:s4] =	ssyncadd.s32 $0xFFFFFC00  }
0x67: {  	[spmem:s17@s10], [sflag:s26] =	dma.strided [hbm:s8@s11], $0x400, s9, $0x8   }
0x68: {  	s28 =	simm.s32 @p0 $0x10;
	s8 =	simm.s32 @p0 $0x1;
	_ =	swait.ge [sflag:s4], $0x400  }
0x69: {  	s17 =	simm.s32 @p0 $0x8;
	[sflag:s4] =	ssyncset.done $0x0;
	s11 =	rddreg [dreg:$0xf]  }
0x6a: {  	s25 =	rddreg [dreg:$0x11];
	[sflag:s4] =	ssyncadd.s32 $0xFFFFFC00;
	s0 =	sshrl.u32 @p0 s11, $0x3  }
0x6b: {  	[spmem:s0@s17], [sflag:s26] =	dma.strided @p0 [hbm:s25@s28], $0x80, s8, $0x8   }
0x6c: {  	s0 =	simm.s32 @p0 $0xA  }
0x6d: {  	s8 =	simm.s32 @!p0 $0x1;
	_ =	swait.ge @p0 [sflag:s0], $0x80  }
0x6e: {  	s17 =	simm.s32 @!p0 $0x8;
	s28 =	simm.s32 @!p0 $0x10;
	[sflag:s0] =	ssyncset.done @p0 $0x0  }
0x6f: {  	[sflag:s0] =	ssyncadd.s32 @p0 $0xFFFFFF80;
	s0 =	sshrl.u32 @!p0 s11, $0x3;
	s11 =	rddreg [dreg:$0xc]  }
0x70: {  	[spmem:s0@s17], [sflag:s26] =	dma.strided @!p0 [hbm:s11@s28], $0x400, s8, $0x8   }
0x71: {  	s0 =	simm.s32 @!p0 $0xA  }
0x72: {  	_ =	swait.ge @!p0 [sflag:s0], $0x400  }
0x73: {  	[sflag:s0] =	ssyncset.done @!p0 $0x0;
	s11 =	rddreg [dreg:$0xd]  }
0x74: {  	s25 =	rddreg [dreg:$0x1c];
	[sflag:s0] =	ssyncadd.s32 @!p0 $0xFFFFFC00  }
0x75: {  	[spmem:s25@s17], [sflag:s26] =	dma.strided @!p0 [hbm:s11@s28], $0x400, s8, $0x8   }
0x76: {  	_ =	swait.ge @!p0 [sflag:s0], $0x400  }
0x77: {  	[sflag:s0] =	ssyncset.done @!p0 $0x0  }
0x78: {  	s28 =	simm.s32 $0x0;
	s25 =	rddreg [dreg:$0x12];
	[sflag:s0] =	ssyncadd.s32 @!p0 $0xFFFFFC00  }
0x79: {  	[tilespmem:s28], [sflag:$0xA] =	stream.linear.gather [hbm4b:s25+s28], $0x200, $0x38;
	[tilespmem:$0x1F000] =	vst v63  }
0x7a: {  	_ =	swait.ge [sflag:s4], $0x200  }
0x7b: {  	[sflag:s4] =	ssyncset.done $0x0  }
0x7c: {  	s31 =	simm.s32 $0x400;
	s30 =	rddreg [dreg:$0x13];
	[sflag:s4] =	ssyncadd.s32 $0xFFFFFE00  }
0x7d: {  	[tilespmem:s31], [sflag:$0xA] =	stream.linear.gather [hbm4b:s30+s28], $0x200, $0x38;
	[tilespmem:$0x1F000] =	vst v63  }
0x7e: {  	_ =	swait.ge [sflag:s4], $0x200  }
0x7f: {  	[sflag:s4] =	ssyncset.done $0x0  }
0x80: {  	s11 =	simm.s32 $0x200;
	s8 =	rddreg [dreg:$0x14];
	[sflag:s4] =	ssyncadd.s32 $0xFFFFFE00  }
0x81: {  	[tilespmem:s11], [sflag:$0x9] =	stream.linear.gather [hbm4b:s8+s28], $0x200, $0x38;
	[tilespmem:$0x1F000] =	vst v63  }
0x82: {  	s25 =	simm.s32 $0x600;
	s17 =	rddreg [dreg:$0x15]  }
0x83: {  	[tilespmem:s25], [sflag:$0x9] =	stream.linear.gather [hbm4b:s17+s28], $0x200, $0x38;
	[tilespmem:$0x1F000] =	vst v63  }
0x84: {  	[bflag:$0x0] =	sbarrier.arrive $0xFFFF  }
0x85: {  	[tilespmem:s5], [sflag:$0x1] =	stream.indirect.gather [spmem:s3], $0x40, s28, s12, $0xb8;
	[tilespmem:$0x1F000] =	vst v63  }
0x86: {  	_ = 	snop  }
0x87: {  	[tilespmem:s13], [sflag:$0x2] =	stream.indirect.gather [spmem:s3], $0x40, s12, s12, $0xb8;
	[tilespmem:$0x1F000] =	vst v63  }
.Ltmp4:
0x88: {  	_ = 	snop;
	(pc) =	sbr.rel .LBB2_6-.Ltmp4, $4  }
0x89: {  	s30 =	simm.s32 $0x100  }
0x8a: {  	[tilespmem:s14], [sflag:$0x3] =	stream.indirect.gather [spmem:s3], $0x40, s30, s12, $0xb8;
	[tilespmem:$0x1F000] =	vst v63  }
0x8b: {  	s29 =	simm.s32 $0x0;
	s31 =	simm.s32 $0x180  }
0x8c: {  	[tilespmem:s15], [sflag:$0x4] =	stream.indirect.gather [spmem:s3], $0x40, s31, s12, $0xb8;
	[tilespmem:$0x1F000] =	vst v63  }
.LBB2_10:
0x8d: {  	p1 =	seq.s32 s29, $0x27  }
0x8e: {  	s0 =	simm.s32 @!p1 $0x9  }
0x8f: {  	_ =	swait.ge @!p1 [sflag:s0], $0x200  }
0x90: {  	[sflag:s0] =	ssyncset.done @!p1 $0x0  }
0x91: {  	[sflag:s0] =	ssyncadd.s32 @!p1 $0xFFFFFE00  }
0x92: {  	_ =	swait.ge @!p1 [sflag:s0], $0x200  }
0x93: {  	[sflag:s0] =	ssyncset.done @!p1 $0x0  }
0x94: {  	[sflag:s0] =	ssyncadd.s32 @!p1 $0xFFFFFE00  }
0x95: {  	_ =	swait.ge [sflag:s21], $0x2000  }
0x96: {  	[sflag:s21] =	ssyncset.done $0x0  }
0x97: {  	[sflag:s21] =	ssyncadd.s32 $0xFFFFE000  }
0x98: {  	_ =	swait.ge [sflag:s22], $0x2000  }
0x99: {  	[sflag:s22] =	ssyncset.done $0x0  }
0x9a: {  	[sflag:s22] =	ssyncadd.s32 $0xFFFFE000  }
0x9b: {  	_ =	swait.ge [sflag:s23], $0x2000  }
0x9c: {  	[sflag:s23] =	ssyncset.done $0x0  }
0x9d: {  	[sflag:s23] =	ssyncadd.s32 $0xFFFFE000  }
0x9e: {  	s0 =	sadd.s32 $0x1, s29;
	_ =	swait.ge [sflag:s10], $0x2000  }
0x9f: {  	s11 =	simm.s32 @!p1 $0x80;
	s8 =	sshll.u32 @!p1 s0, $0x9;
	[sflag:s10] =	ssyncset.done $0x0  }
0xa0: {  	s17 =	simm.s32 @!p1 $0x800;
	s8 =	sand.u32 @!p1 $0x200, s8;
	[sflag:s10] =	ssyncadd.s32 $0xFFFFE000  }
0xa1: {  	[tilespmem:s17], [sflag:$0x1] =	stream.indirect.gather @!p1 [spmem:s3], $0x40, s8, s11, $0xb8;
	[tilespmem:$0x1F000] =	vst v63  }
0xa2: {  	s25 =	simm.s32 @!p1 $0x2800;
	s17 =	sor.u32 @!p1 $0x80, s8  }
0xa3: {  	[tilespmem:s25], [sflag:$0x2] =	stream.indirect.gather @!p1 [spmem:s3], $0x40, s17, s11, $0xb8;
	[tilespmem:$0x1F000] =	vst v63  }
0xa4: {  	p2 =	sgt.u32 @!p1 s29, $0x25;
	s17 =	sor.u32 @!p1 $0x100, s8;
	s25 =	simm.s32 @!p1 $0x4800  }
0xa5: {  	[tilespmem:s25], [sflag:$0x3] =	stream.indirect.gather @!p1 [spmem:s3], $0x40, s17, s11, $0xb8;
	[tilespmem:$0x1F000] =	vst v63  }
0xa6: {  	p2 =	por p2, p1;
	s8 =	sor.u32 @!p1 $0x180, s8;
	s17 =	simm.s32 @!p1 $0x6800  }
0xa7: {  	[tilespmem:s17], [sflag:$0x4] =	stream.indirect.gather @!p1 [spmem:s3], $0x40, s8, s11, $0xb8;
	[tilespmem:$0x1F000] =	vst v63  }
0xa8: {  	s8 =	sshll.u32 @!p2 s29, $0x9  }
0xa9: {  	s8 =	sadd.s32 @!p2 s8, s24  }
0xaa: {  	s8 =	sshrl.u32 @!p2 s8, $0x3  }
0xab: {  	s17 =	simm.s32 @!p2 $0x0;
	s11 =	sadd.s32 @!p2 s1, s8  }
0xac: {  	[tilespmem:s30], [sflag:$0x9] =	stream.linear.gather @!p2 [hbm4b:s11+s17], $0x200, $0x38;
	[tilespmem:$0x1F000] =	vst v63  }
0xad: {  	s8 =	sadd.s32 @!p2 s7, s8  }
0xae: {  	[tilespmem:s31], [sflag:$0x9] =	stream.linear.gather @!p2 [hbm4b:s8+s17], $0x200, $0x38;
	[tilespmem:$0x1F000] =	vst v63  }
0xaf: {  	p2 =	sne.s32 @!p1 s0, $0x28  }
0xb0: {  	p1 =	por p1, !p2  }
.Ltmp5:
0xb1: {  	_ = 	snop;
	(pc) =	sbr.rel @p1 .LBB2_11-.Ltmp5, $2  }
0xb2: {  	_ =	sdelay $0x2  }
0xb3: {  	s29 =	smov.u32 s0  }
.LBB2_6:
0xb4: {  	s0 =	sand.u32 $0x1, s29;
	_ =	swait.ge [sflag:s9], $0x2000  }
0xb5: {  	[sflag:s9] =	ssyncset.done $0x0;
	s30 =	sshll.u32 s0, $0x9  }
0xb6: {  	[sflag:s9] =	ssyncadd.s32 $0xFFFFE000;
	s31 =	sor.u32 $0x400, s30  }
0xb7: {  	[spmem:s2] =	stream.indirect.scatter.add.f32 [tilespmem:s5], [sflag:$0x5], $0x40, s31, s12, $0xb8;
	[tilespmem:$0x1F000] =	vst v63  }
0xb8: {  	_ =	swait.ge [sflag:s16], $0x2000  }
0xb9: {  	[sflag:s16] =	ssyncset.done $0x0  }
0xba: {  	s8 =	sor.u32 $0x480, s30;
	[sflag:s16] =	ssyncadd.s32 $0xFFFFE000  }
0xbb: {  	[spmem:s2] =	stream.indirect.scatter.add.f32 [tilespmem:s13], [sflag:$0x6], $0x40, s8, s12, $0xb8;
	[tilespmem:$0x1F000] =	vst v63  }
0xbc: {  	_ =	swait.ge [sflag:s18], $0x2000  }
0xbd: {  	[sflag:s18] =	ssyncset.done $0x0  }
0xbe: {  	p1 =	sne.s32 s6, s0;
	s17 =	sor.u32 $0x500, s30;
	[sflag:s18] =	ssyncadd.s32 $0xFFFFE000  }
0xbf: {  	[spmem:s2] =	stream.indirect.scatter.add.f32 [tilespmem:s14], [sflag:$0x7], $0x40, s17, s12, $0xb8;
	[tilespmem:$0x1F000] =	vst v63  }
.Ltmp6:
0xc0: {  	_ = 	snop;
	(pc) =	sbr.rel @p1 .LBB2_10-.Ltmp6, $4  }
0xc1: {  	_ =	swait.ge [sflag:s19], $0x2000  }
0xc2: {  	[sflag:s19] =	ssyncset.done $0x0  }
0xc3: {  	s25 =	sor.u32 $0x580, s30;
	[sflag:s19] =	ssyncadd.s32 $0xFFFFE000  }
0xc4: {  	[spmem:s2] =	stream.indirect.scatter.add.f32 [tilespmem:s15], [sflag:$0x8], $0x40, s25, s12, $0xb8;
	[tilespmem:$0x1F000] =	vst v63  }
0xc5: {  	s0 =	sand.u32 $0x600, s28  }
0xc6: {  	s0 =	sshrl.u32 s0, $0x2  }
0xc7: {  	s8 =	sand.u32 $0x70, s28;
	s0 =	sadd.s32 s0, s31  }
0xc8: {  	s0 =	sadd.s32 s8, s0  }
0xc9: {  	v2 =	vld [tilespmem:s0+$0x0];
	_ =	sdelay $0x3  }
0xca: {  	s11 =	sadd.s32 $0x40, s28  }
0xcb: {  	s17 =	sand.u32 $0x600, s11;
	s8 =	sadd.s32 $0x40, s11;
	s0 =	simm.s32 $0x0  }
.LBB2_8:
0xcc: {  	p1 =	sne.s32 s8, $0x7C0;
	s11 =	sshrl.u32 s17, $0x2;
	s0 =	sadd.s32 $0x10, s0  }
0xcd: {  	s17 =	sand.u32 $0x70, s0;
	s11 =	sadd.s32 s11, s31  }
0xce: {  	s11 =	sadd.s32 s17, s11;
	[tilespmem:v2+s20+$0x0] =	vst.idx.add.f32.msk $0xffff, v1  }
0xcf: {  	v2 =	vld [tilespmem:s11+$0x0]  }
.Ltmp7:
0xd0: {  	(pc) =	sbr.rel @p1 .LBB2_8-.Ltmp7, $2  }
0xd1: {  	_ =	sdelay $0x2  }
0xd2: {  	s17 =	sand.u32 $0x600, s8;
	s8 =	sadd.s32 $0x40, s8  }
0xd3: {  	_ =	sdelay $0x1  }
0xd4: {  	s8 =	sshrl.u32 s17, $0x2;
	s0 =	sadd.s32 $0x10, s0  }
0xd5: {  	s0 =	sand.u32 $0x70, s0;
	s8 =	sadd.s32 s8, s31  }
0xd6: {  	[tilespmem:v2+s20+$0x0] =	vst.idx.add.f32.msk $0xffff, v1;
	s0 =	sadd.s32 s0, s8  }
0xd7: {  	v2 =	vld [tilespmem:s0+$0x0];
	_ =	sdelay $0x3  }
.Ltmp8:
0xd8: {  	_ = 	snop;
	(pc) =	sbr.rel .LBB2_10-.Ltmp8, $2  }
0xd9: {  	_ =	sdelay $0x2  }
0xda: {  	[tilespmem:v2+s20+$0x0] =	vst.idx.add.f32.msk $0xffff, v1  }
.LBB2_12:
0xdb: {  	_ =	sfence.sel $0x180000  }
0xdc: {  	[bflag:$0x0] =	sbarrier.arrive $0xFFFF  }
0xdd: {  	_ =	strace $0x90000047  }
0xde: {  	s0 =	stileid.u32;
	[bflag:$0x2] =	sbarrier.arrive $0xFFFF  }
0xdf: {  	p0 =	sne.s32 s0, $0x0;
	s0 =	rddreg [dreg:$0x5]  }
0xe0: {  	s0 =	sadd.s32 @!p0 $0x100000, s0  }
0xe1: {  	[sflag:s0] =	ssyncadd.tile.s32 @!p0 $0x1;
	_ =	shalt  }
.Lfunc_end2:
_tile_overlayer_lowered:
.L_overlay_start_2:
0xe2: {  	(tag) =	ssettag $0x2  }
0xe3: {  	s0 =	rddreg [dreg:$0x0];
	s2 =	stileid.u32  }
0xe4: {  	s1 =	rddreg [dreg:$0x1];
	p0 =	sne.s32 s2, $0x0  }
0xe5: {  	s3 =	rddreg [dreg:$0x2];
	[bflag:$0x3] =	sbarrier.arrive $0xFFFF;
	s2 =	simm.s32 @!p0 $0x1C0A  }
0xe6: {  	[timem:s3], [sflag:s2] =	dma.local @!p0 [hbm:s0], s1  }
0xe7: {  	s0 =	simm.s32 @!p0 $0xA  }
0xe8: {  	_ =	swait.ge @!p0 [sflag:s0], s1  }
0xe9: {  	s1 =	ssub.s32 @!p0 $0x0, s1;
	[sflag:s0] =	ssyncset.done @!p0 $0x0  }
0xea: {  	[sflag:s0] =	ssyncadd.s32 @!p0 s1  }
0xeb: {  	[bflag:$0x3] =	sbarrier.arrive $0xFFFF  }
0xec: {  	_ =	shalt  }

</sc_bundles>
